<compile_context>
chip_gen: v7x
topology: tpu7x:2x2x1
jax: 0.10.2.dev20260603
libtpu: 0.0.44.dev20260713+nightly
codegen_flags: <defaults>
</compile_context>

<pallas_src>
import functools

import jax
import jax.numpy as jnp
from jax import lax
from jax.experimental import pallas as pl
from jax.experimental.pallas import tpu as pltpu
from jax.experimental.pallas import tpu_sc as plsc

TOKENS = 16384
E = 64
K = 8
L = 16
NC = 2
NS = 16
NW = NC * NS
ROWS = TOKENS // NW
BLK = 512
GRID = TOKENS // BLK

_mesh = plsc.VectorSubcoreMesh(core_axis_name="c", subcore_axis_name="s")


@functools.partial(
    pl.kernel,
    out_type=jax.ShapeDtypeStruct((NW, 2 * E), jnp.float32),
    mesh=_mesh,
    compiler_params=pltpu.CompilerParams(needs_layout_passes=False),
    scratch_types=[
        pltpu.VMEM((ROWS // 2, E), jnp.float32),
        pltpu.VMEM((ROWS // 2, E), jnp.float32),
        pltpu.VMEM((2 * E,), jnp.float32),
        pltpu.SemaphoreType.DMA,
        pltpu.SemaphoreType.DMA,
    ],
)
def _sc_topk_hist(l_hbm, w_hbm, out_hbm, buf_a, buf_b, acc_v, sem_a, sem_b):
    c = lax.axis_index("c")
    s = lax.axis_index("s")
    wid = s * NC + c
    base = wid * ROWS

    iota = lax.iota(jnp.int32, L)
    zeros = jnp.zeros((L,), jnp.float32)
    ones = jnp.ones((L,), jnp.float32)
    low_half = iota < 8
    shift8 = (iota + 8) & 15
    idx_l = [iota + L * j for j in range(E // L)]
    idx_w = [iota + L * j + E for j in range(E // L)]
    for j in range(2 * E // L):
        acc_v[pl.ds(L * j, L)] = zeros

    def merge(ka, va, kb, vb, descending):
        take_a = ka >= kb
        mk = jnp.maximum(ka, kb)
        mv = jnp.where(take_a, va, vb)
        return plsc.sort_key_val(mk, mv, descending=descending)

    def top8(buf, r, consts):
        ks, vs = [], []
        for j in range(E // L):
            k_s, v_s = plsc.sort_key_val(
                buf[r, pl.ds(L * j, L)], consts[j],
                descending=(j % 2 == 0),
            )
            ks.append(k_s)
            vs.append(v_s)
        k01, v01 = merge(ks[0], vs[0], ks[1], vs[1], descending=True)
        k23, v23 = merge(ks[2], vs[2], ks[3], vs[3], descending=False)
        take_a = k01 >= k23
        kv = jnp.maximum(k01, k23)
        vv = jnp.where(take_a, v01, v23)
        kv_s = lax.gather(
            kv, shift8[:, None],
            dimension_numbers=lax.GatherDimensionNumbers(
                offset_dims=(), collapsed_slice_dims=(0,),
                start_index_map=(0,),
            ),
            slice_sizes=(1,),
            mode=lax.GatherScatterMode.PROMISE_IN_BOUNDS,
        )
        sel = jnp.where(low_half, kv >= kv_s, kv > kv_s)
        return vv, sel

    def loop_hist(buf, consts):
        @plsc.parallel_loop(0, ROWS // 2, unroll=4)
        def _(r):
            vv, sel = top8(buf, r, consts)
            plsc.addupdate_scatter(acc_v, [vv], ones, mask=sel)

    CH = ROWS // 2
    h_a = pltpu.async_copy(l_hbm.at[pl.ds(base, CH)], buf_a, sem_a)
    h_b = pltpu.async_copy(l_hbm.at[pl.ds(base + CH, CH)], buf_b, sem_b)
    h_a.wait()
    loop_hist(buf_a, idx_l)
    h_a2 = pltpu.async_copy(w_hbm.at[pl.ds(base, CH)], buf_a, sem_a)
    h_b.wait()
    loop_hist(buf_b, idx_l)
    h_b2 = pltpu.async_copy(w_hbm.at[pl.ds(base + CH, CH)], buf_b, sem_b)
    h_a2.wait()
    loop_hist(buf_a, idx_w)
    h_b2.wait()
    loop_hist(buf_b, idx_w)

    pltpu.sync_copy(acc_v, out_hbm.at[wid])


def _tc_colsum_body(x_ref, o_ref):
    o_ref[...] = jnp.sum(x_ref[...], axis=0, keepdims=True)


def _combine_body(p_ref, cs_ref, o_ref):
    s = jnp.sum(p_ref[...], axis=0, keepdims=True)
    o_ref[0:1, :] = s[:, 0:E]
    o_ref[1:2, :] = s[:, E:2 * E]
    o_ref[2:3, :] = cs_ref[...]


def kernel(layer_idx, router_weights, num_experts_per_tok, router_logits):
    partials = _sc_topk_hist(router_logits, router_weights)
    colsum = pl.pallas_call(
        _tc_colsum_body,
        out_shape=jax.ShapeDtypeStruct((1, E), jnp.float32),
    )(router_weights)
    out = pl.pallas_call(
        _combine_body,
        out_shape=jax.ShapeDtypeStruct((3, E), jnp.float32),
    )(partials, colsum)
    return out

# --- scband reference (transcript-rebuilt; emitter-appended) ---
"""Pipeline reference for scband-aux-loss-context-64639257805269 (READ-ONLY COPY).

The authoritative reference and input builder live on the scoring server;
editing this copy changes nothing except your own understanding.
"""

import jax, jax.numpy as jnp
import numpy as np

NUM_LAYERS = 32
N_EXPERTS = 64
TOKENS = 16384
TOP_K = 8


def setup_inputs(seed: int = 0) -> dict:
    key = jax.random.key(seed)
    k1, k2 = jax.random.split(key)
    router_weights = jax.random.uniform(k1, (TOKENS, N_EXPERTS), dtype=jnp.float32)
    router_logits = jax.random.normal(k2, (TOKENS, N_EXPERTS), dtype=jnp.float32)
    return {
        "layer_idx": 0,
        "router_weights": router_weights,
        "num_experts_per_tok": TOP_K,
        "router_logits": router_logits,
    }


def reference(layer_idx, router_weights, num_experts_per_tok, router_logits):
    # Faithful translation of AuxLossContext.update for one layer:
    #   1) top-k over router_logits -> histogram of expert assignments (local_load_logits row)
    #   2) top-k over router_weights -> histogram of expert assignments (local_load row, balancing branch)
    #   3) routing weights sum accumulator (routing_weights_sum_list entry)
    E = router_logits.shape[-1]
    _, sel_logits = jax.lax.top_k(router_logits, TOP_K)
    tokens_per_expert_logits = jnp.bincount(sel_logits.reshape(-1), length=E).astype(jnp.float32)
    _, sel_w = jax.lax.top_k(router_weights, TOP_K)
    tokens_per_expert = jnp.bincount(sel_w.reshape(-1), length=E).astype(jnp.float32)
    routing_weights_sum = jnp.sum(router_weights.astype(jnp.float32), axis=0)
    # Stack the three per-expert accumulator rows for this layer_idx.
    out = jnp.stack([tokens_per_expert_logits, tokens_per_expert, routing_weights_sum], axis=0)
    out = out + jnp.float32(0.0) * num_experts_per_tok
    return out

if __name__ == "__main__":
    import jax
    _d = setup_inputs()
    print(jax.jit(kernel)(*tuple(_d.values())))

</pallas_src>

<mosaic_0001>
#map = affine_map<(d0, d1) -> (0, 0)>
module attributes {stable_mosaic.version = 14 : i64} {
  func.func @_sc_topk_hist(%arg0: i32, %arg1: i32, %arg2: memref<16384x64xf32, #tpu.memory_space<hbm>>, %arg3: memref<16384x64xf32, #tpu.memory_space<hbm>>, %arg4: memref<32x128xf32, #tpu.memory_space<hbm>>, %arg5: memref<256x64xf32, #tpu.memory_space<vmem>>, %arg6: memref<256x64xf32, #tpu.memory_space<vmem>>, %arg7: memref<128xf32, #tpu.memory_space<vmem>>, %arg8: memref<!tpu.dma_semaphore, #tpu.memory_space<semaphore_mem>>, %arg9: memref<!tpu.dma_semaphore, #tpu.memory_space<semaphore_mem>>) attributes {dimension_semantics = [#tpu.dimension_semantics<core_parallel>, #tpu.dimension_semantics<subcore_parallel>], iteration_bounds = array<i64: 2, 16>, scalar_prefetch = 0 : i64, scratch_operands = 5 : i64, tpu.core_type = #tpu.core_type<sc_vector_subcore>, window_params = [{transform_indices = #map}, {transform_indices = #map}, {transform_indices = #map}]} {
    %mul3A = arith.constant 2 : i32
    %mul3A_0 = arith.muli %arg1, %mul3A : i32
    %add3A = arith.addi %mul3A_0, %arg0 : i32
    %mul3A_1 = arith.constant 512 : i32
    %mul3A_2 = arith.muli %add3A, %mul3A_1 : i32
    %iota3A = tpu.iota {dimensions = array<i32: 0>} : vector<16xi32>
    %broadcast_in_dim3A = arith.constant 0.000000e+00 : f32
    %broadcast_in_dim3A_3 = vector.broadcast %broadcast_in_dim3A : f32 to vector<16xf32>
    %broadcast_in_dim3A_4 = arith.constant 1.000000e+00 : f32
    %broadcast_in_dim3A_5 = vector.broadcast %broadcast_in_dim3A_4 : f32 to vector<16xf32>
    %lt3A = arith.constant 8 : i32
    %lt3A_6 = vector.broadcast %lt3A : i32 to vector<16xi32>
    %lt3A_7 = arith.cmpi slt, %iota3A, %lt3A_6 : vector<16xi32>
    %add3A_8 = arith.constant 8 : i32
    %add3A_9 = vector.broadcast %add3A_8 : i32 to vector<16xi32>
    %add3A_10 = arith.addi %iota3A, %add3A_9 : vector<16xi32>
    %and3A = arith.constant 15 : i32
    %and3A_11 = vector.broadcast %and3A : i32 to vector<16xi32>
    %and3A_12 = arith.andi %add3A_10, %and3A_11 : vector<16xi32>
    %add3A_13 = arith.constant 0 : i32
    %add3A_14 = vector.broadcast %add3A_13 : i32 to vector<16xi32>
    %add3A_15 = arith.addi %iota3A, %add3A_14 : vector<16xi32>
    %add3A_16 = arith.constant 16 : i32
    %add3A_17 = vector.broadcast %add3A_16 : i32 to vector<16xi32>
    %add3A_18 = arith.addi %iota3A, %add3A_17 : vector<16xi32>
    %add3A_19 = arith.constant 32 : i32
    %add3A_20 = vector.broadcast %add3A_19 : i32 to vector<16xi32>
    %add3A_21 = arith.addi %iota3A, %add3A_20 : vector<16xi32>
    %add3A_22 = arith.constant 48 : i32
    %add3A_23 = vector.broadcast %add3A_22 : i32 to vector<16xi32>
    %add3A_24 = arith.addi %iota3A, %add3A_23 : vector<16xi32>
    %add3A_25 = arith.constant 0 : i32
    %add3A_26 = vector.broadcast %add3A_25 : i32 to vector<16xi32>
    %add3A_27 = arith.addi %iota3A, %add3A_26 : vector<16xi32>
    %add3A_28 = arith.constant 64 : i32
    %add3A_29 = vector.broadcast %add3A_28 : i32 to vector<16xi32>
    %add3A_30 = arith.addi %add3A_27, %add3A_29 : vector<16xi32>
    %add3A_31 = arith.constant 16 : i32
    %add3A_32 = vector.broadcast %add3A_31 : i32 to vector<16xi32>
    %add3A_33 = arith.addi %iota3A, %add3A_32 : vector<16xi32>
    %add3A_34 = arith.constant 64 : i32
    %add3A_35 = vector.broadcast %add3A_34 : i32 to vector<16xi32>
    %add3A_36 = arith.addi %add3A_33, %add3A_35 : vector<16xi32>
    %add3A_37 = arith.constant 32 : i32
    %add3A_38 = vector.broadcast %add3A_37 : i32 to vector<16xi32>
    %add3A_39 = arith.addi %iota3A, %add3A_38 : vector<16xi32>
    %add3A_40 = arith.constant 64 : i32
    %add3A_41 = vector.broadcast %add3A_40 : i32 to vector<16xi32>
    %add3A_42 = arith.addi %add3A_39, %add3A_41 : vector<16xi32>
    %add3A_43 = arith.constant 48 : i32
    %add3A_44 = vector.broadcast %add3A_43 : i32 to vector<16xi32>
    %add3A_45 = arith.addi %iota3A, %add3A_44 : vector<16xi32>
    %add3A_46 = arith.constant 64 : i32
    %add3A_47 = vector.broadcast %add3A_46 : i32 to vector<16xi32>
    %add3A_48 = arith.addi %add3A_45, %add3A_47 : vector<16xi32>
    %swap3A = arith.constant 0 : index
    %swap3A_49 = tpu.vector_load %arg7[%swap3A] {strides = array<i32>} : memref<128xf32, #tpu.memory_space<vmem>>, vector<16xf32>,
    tpu.vector_store %arg7[%swap3A], %broadcast_in_dim3A_3 {strides = array<i32>} : memref<128xf32, #tpu.memory_space<vmem>>, vector<16xf32>,
    %swap3A_50 = arith.constant 16 : index
    %swap3A_51 = tpu.vector_load %arg7[%swap3A_50] {strides = array<i32>} : memref<128xf32, #tpu.memory_space<vmem>>, vector<16xf32>,
    tpu.vector_store %arg7[%swap3A_50], %broadcast_in_dim3A_3 {strides = array<i32>} : memref<128xf32, #tpu.memory_space<vmem>>, vector<16xf32>,
    %swap3A_52 = arith.constant 32 : index
    %swap3A_53 = tpu.vector_load %arg7[%swap3A_52] {strides = array<i32>} : memref<128xf32, #tpu.memory_space<vmem>>, vector<16xf32>,
    tpu.vector_store %arg7[%swap3A_52], %broadcast_in_dim3A_3 {strides = array<i32>} : memref<128xf32, #tpu.memory_space<vmem>>, vector<16xf32>,
    %swap3A_54 = arith.constant 48 : index
    %swap3A_55 = tpu.vector_load %arg7[%swap3A_54] {strides = array<i32>} : memref<128xf32, #tpu.memory_space<vmem>>, vector<16xf32>,
    tpu.vector_store %arg7[%swap3A_54], %broadcast_in_dim3A_3 {strides = array<i32>} : memref<128xf32, #tpu.memory_space<vmem>>, vector<16xf32>,
    %swap3A_56 = arith.constant 64 : index
    %swap3A_57 = tpu.vector_load %arg7[%swap3A_56] {strides = array<i32>} : memref<128xf32, #tpu.memory_space<vmem>>, vector<16xf32>,
    tpu.vector_store %arg7[%swap3A_56], %broadcast_in_dim3A_3 {strides = array<i32>} : memref<128xf32, #tpu.memory_space<vmem>>, vector<16xf32>,
    %swap3A_58 = arith.constant 80 : index
    %swap3A_59 = tpu.vector_load %arg7[%swap3A_58] {strides = array<i32>} : memref<128xf32, #tpu.memory_space<vmem>>, vector<16xf32>,
    tpu.vector_store %arg7[%swap3A_58], %broadcast_in_dim3A_3 {strides = array<i32>} : memref<128xf32, #tpu.memory_space<vmem>>, vector<16xf32>,
    %swap3A_60 = arith.constant 96 : index
    %swap3A_61 = tpu.vector_load %arg7[%swap3A_60] {strides = array<i32>} : memref<128xf32, #tpu.memory_space<vmem>>, vector<16xf32>,
    tpu.vector_store %arg7[%swap3A_60], %broadcast_in_dim3A_3 {strides = array<i32>} : memref<128xf32, #tpu.memory_space<vmem>>, vector<16xf32>,
    %swap3A_62 = arith.constant 112 : index
    %swap3A_63 = tpu.vector_load %arg7[%swap3A_62] {strides = array<i32>} : memref<128xf32, #tpu.memory_space<vmem>>, vector<16xf32>,
    tpu.vector_store %arg7[%swap3A_62], %broadcast_in_dim3A_3 {strides = array<i32>} : memref<128xf32, #tpu.memory_space<vmem>>, vector<16xf32>,
    %dma_start3A = arith.constant 0 : i32
    %dma_start3A_64 = tpu.memref_slice %arg2[%mul3A_2, %dma_start3A] : memref<16384x64xf32, #tpu.memory_space<hbm>> -> memref<256x64xf32, #tpu.memory_space<hbm>>
    %dma_start3A_65 = arith.constant 0 : i32
    %dma_start3A_66 = tpu.memref_slice %arg2[%mul3A_2, %dma_start3A_65] : memref<16384x64xf32, #tpu.memory_space<hbm>> -> memref<256x64xf32, #tpu.memory_space<hbm>>
    tpu.enqueue_dma source(%dma_start3A_66 : memref<256x64xf32, #tpu.memory_space<hbm>>) target(%arg5 : memref<256x64xf32, #tpu.memory_space<vmem>>) target_semaphore(%arg8 : memref<!tpu.dma_semaphore, #tpu.memory_space<semaphore_mem>>)
    %add3A_67 = arith.constant 256 : i32
    %add3A_68 = arith.addi %mul3A_2, %add3A_67 : i32
    %dma_start3A_69 = arith.constant 0 : i32
    %dma_start3A_70 = tpu.memref_slice %arg2[%add3A_68, %dma_start3A_69] : memref<16384x64xf32, #tpu.memory_space<hbm>> -> memref<256x64xf32, #tpu.memory_space<hbm>>
    %dma_start3A_71 = arith.constant 0 : i32
    %dma_start3A_72 = tpu.memref_slice %arg2[%add3A_68, %dma_start3A_71] : memref<16384x64xf32, #tpu.memory_space<hbm>> -> memref<256x64xf32, #tpu.memory_space<hbm>>
    tpu.enqueue_dma source(%dma_start3A_72 : memref<256x64xf32, #tpu.memory_space<hbm>>) target(%arg6 : memref<256x64xf32, #tpu.memory_space<vmem>>) target_semaphore(%arg9 : memref<!tpu.dma_semaphore, #tpu.memory_space<semaphore_mem>>)
    %dma_wait3A = arith.constant 0 : i32
    %dma_wait3A_73 = tpu.memref_slice %arg2[%mul3A_2, %dma_wait3A] : memref<16384x64xf32, #tpu.memory_space<hbm>> -> memref<256x64xf32, #tpu.memory_space<hbm>>
    %dma_wait3A_74 = arith.constant 0 : i32
    %dma_wait3A_75 = tpu.memref_slice %arg2[%mul3A_2, %dma_wait3A_74] : memref<16384x64xf32, #tpu.memory_space<hbm>> -> memref<256x64xf32, #tpu.memory_space<hbm>>
    tpu.wait_dma2 semaphore(%arg8 : memref<!tpu.dma_semaphore, #tpu.memory_space<semaphore_mem>>) src(%dma_wait3A_75 : memref<256x64xf32, #tpu.memory_space<hbm>>) dst(%arg5 : memref<256x64xf32, #tpu.memory_space<vmem>>)
    %parallel_loop3A = arith.constant 0 : i32
    %parallel_loop3A_76 = arith.constant 256 : i32
    %parallel_loop3A_77 = arith.constant 1 : i32
    scf.for %parallel_loop3A_109 = %parallel_loop3A to %parallel_loop3A_76 step %parallel_loop3A_77  : i32 {
      %parallel_loop3A_110 = arith.index_cast %parallel_loop3A_109 : i32 to index
      %parallel_loop3A_111 = arith.constant 0 : index
      %parallel_loop3A_112 = tpu.vector_load %arg5[%parallel_loop3A_110, %parallel_loop3A_111] {strides = array<i32>} : memref<256x64xf32, #tpu.memory_space<vmem>>, vector<16xf32>,
      %parallel_loop3A_113 = arith.constant dense<true> : vector<16xi1>
      %parallel_loop3A_114, %parallel_loop3A_115, %parallel_loop3A_116 = tpu.sort %parallel_loop3A_112, %add3A_15 masked %parallel_loop3A_113 {descending = true} : (vector<16xf32>, vector<16xi32>, vector<16xi1>) -> (vector<16xi1>, vector<16xf32>, vector<16xi32>)
      %parallel_loop3A_117 = arith.index_cast %parallel_loop3A_109 : i32 to index
      %parallel_loop3A_118 = arith.constant 16 : index
      %parallel_loop3A_119 = tpu.vector_load %arg5[%parallel_loop3A_117, %parallel_loop3A_118] {strides = array<i32>} : memref<256x64xf32, #tpu.memory_space<vmem>>, vector<16xf32>,
      %parallel_loop3A_120 = arith.constant dense<true> : vector<16xi1>
      %parallel_loop3A_121, %parallel_loop3A_122, %parallel_loop3A_123 = tpu.sort %parallel_loop3A_119, %add3A_18 masked %parallel_loop3A_120 : (vector<16xf32>, vector<16xi32>, vector<16xi1>) -> (vector<16xi1>, vector<16xf32>, vector<16xi32>)
      %parallel_loop3A_124 = arith.index_cast %parallel_loop3A_109 : i32 to index
      %parallel_loop3A_125 = arith.constant 32 : index
      %parallel_loop3A_126 = tpu.vector_load %arg5[%parallel_loop3A_124, %parallel_loop3A_125] {strides = array<i32>} : memref<256x64xf32, #tpu.memory_space<vmem>>, vector<16xf32>,
      %parallel_loop3A_127 = arith.constant dense<true> : vector<16xi1>
      %parallel_loop3A_128, %parallel_loop3A_129, %parallel_loop3A_130 = tpu.sort %parallel_loop3A_126, %add3A_21 masked %parallel_loop3A_127 {descending = true} : (vector<16xf32>, vector<16xi32>, vector<16xi1>) -> (vector<16xi1>, vector<16xf32>, vector<16xi32>)
      %parallel_loop3A_131 = arith.index_cast %parallel_loop3A_109 : i32 to index
      %parallel_loop3A_132 = arith.constant 48 : index
      %parallel_loop3A_133 = tpu.vector_load %arg5[%parallel_loop3A_131, %parallel_loop3A_132] {strides = array<i32>} : memref<256x64xf32, #tpu.memory_space<vmem>>, vector<16xf32>,
      %parallel_loop3A_134 = arith.constant dense<true> : vector<16xi1>
      %parallel_loop3A_135, %parallel_loop3A_136, %parallel_loop3A_137 = tpu.sort %parallel_loop3A_133, %add3A_24 masked %parallel_loop3A_134 : (vector<16xf32>, vector<16xi32>, vector<16xi1>) -> (vector<16xi1>, vector<16xf32>, vector<16xi32>)
      %parallel_loop3A_138 = arith.cmpf oge, %parallel_loop3A_115, %parallel_loop3A_122 : vector<16xf32>
      %parallel_loop3A_139 = arith.maximumf %parallel_loop3A_115, %parallel_loop3A_122 : vector<16xf32>
      %parallel_loop3A_140 = arith.select %parallel_loop3A_138, %parallel_loop3A_116, %parallel_loop3A_123 : vector<16xi1>, vector<16xi32>
      %parallel_loop3A_141 = arith.constant dense<true> : vector<16xi1>
      %parallel_loop3A_142, %parallel_loop3A_143, %parallel_loop3A_144 = tpu.sort %parallel_loop3A_139, %parallel_loop3A_140 masked %parallel_loop3A_141 {descending = true} : (vector<16xf32>, vector<16xi32>, vector<16xi1>) -> (vector<16xi1>, vector<16xf32>, vector<16xi32>)
      %parallel_loop3A_145 = arith.cmpf oge, %parallel_loop3A_129, %parallel_loop3A_136 : vector<16xf32>
      %parallel_loop3A_146 = arith.maximumf %parallel_loop3A_129, %parallel_loop3A_136 : vector<16xf32>
      %parallel_loop3A_147 = arith.select %parallel_loop3A_145, %parallel_loop3A_130, %parallel_loop3A_137 : vector<16xi1>, vector<16xi32>
      %parallel_loop3A_148 = arith.constant dense<true> : vector<16xi1>
      %parallel_loop3A_149, %parallel_loop3A_150, %parallel_loop3A_151 = tpu.sort %parallel_loop3A_146, %parallel_loop3A_147 masked %parallel_loop3A_148 : (vector<16xf32>, vector<16xi32>, vector<16xi1>) -> (vector<16xi1>, vector<16xf32>, vector<16xi32>)
      %parallel_loop3A_152 = arith.cmpf oge, %parallel_loop3A_143, %parallel_loop3A_150 : vector<16xf32>
      %parallel_loop3A_153 = arith.maximumf %parallel_loop3A_143, %parallel_loop3A_150 : vector<16xf32>
      %parallel_loop3A_154 = arith.select %parallel_loop3A_152, %parallel_loop3A_144, %parallel_loop3A_151 : vector<16xi1>, vector<16xi32>
      %parallel_loop3A_155 = vector.shape_cast %and3A_12 : vector<16xi32> to vector<16x1xi32>
      %parallel_loop3A_156 = vector.shape_cast %parallel_loop3A_155 : vector<16x1xi32> to vector<16xi32>
      %parallel_loop3A_157 = tpu.dynamic_gather %parallel_loop3A_153[%parallel_loop3A_156] in [0] : vector<16xf32>, vector<16xi32> -> vector<16xf32>
      %parallel_loop3A_158 = arith.cmpf oge, %parallel_loop3A_153, %parallel_loop3A_157 : vector<16xf32>
      %parallel_loop3A_159 = arith.cmpf ogt, %parallel_loop3A_153, %parallel_loop3A_157 : vector<16xf32>
      %parallel_loop3A_160 = arith.select %lt3A_7, %parallel_loop3A_158, %parallel_loop3A_159 : vector<16xi1>, vector<16xi1>
      tpu.vector_store_idx %arg7[%parallel_loop3A_154], %broadcast_in_dim3A_5 masked %parallel_loop3A_160 {add = true} : memref<128xf32, #tpu.memory_space<vmem>>[vector<16xi32>], vector<16xf32>, vector<16xi1>
    } {sc.loop_unroll_factor = 4 : i64, sc.parallel_access}
    %dma_start3A_78 = arith.constant 0 : i32
    %dma_start3A_79 = tpu.memref_slice %arg3[%mul3A_2, %dma_start3A_78] : memref<16384x64xf32, #tpu.memory_space<hbm>> -> memref<256x64xf32, #tpu.memory_space<hbm>>
    %dma_start3A_80 = arith.constant 0 : i32
    %dma_start3A_81 = tpu.memref_slice %arg3[%mul3A_2, %dma_start3A_80] : memref<16384x64xf32, #tpu.memory_space<hbm>> -> memref<256x64xf32, #tpu.memory_space<hbm>>
    tpu.enqueue_dma source(%dma_start3A_81 : memref<256x64xf32, #tpu.memory_space<hbm>>) target(%arg5 : memref<256x64xf32, #tpu.memory_space<vmem>>) target_semaphore(%arg8 : memref<!tpu.dma_semaphore, #tpu.memory_space<semaphore_mem>>)
    %dma_wait3A_82 = arith.constant 0 : i32
    %dma_wait3A_83 = tpu.memref_slice %arg2[%add3A_68, %dma_wait3A_82] : memref<16384x64xf32, #tpu.memory_space<hbm>> -> memref<256x64xf32, #tpu.memory_space<hbm>>
    %dma_wait3A_84 = arith.constant 0 : i32
    %dma_wait3A_85 = tpu.memref_slice %arg2[%add3A_68, %dma_wait3A_84] : memref<16384x64xf32, #tpu.memory_space<hbm>> -> memref<256x64xf32, #tpu.memory_space<hbm>>
    tpu.wait_dma2 semaphore(%arg9 : memref<!tpu.dma_semaphore, #tpu.memory_space<semaphore_mem>>) src(%dma_wait3A_85 : memref<256x64xf32, #tpu.memory_space<hbm>>) dst(%arg6 : memref<256x64xf32, #tpu.memory_space<vmem>>)
    %parallel_loop3A_86 = arith.constant 0 : i32
    %parallel_loop3A_87 = arith.constant 256 : i32
    %parallel_loop3A_88 = arith.constant 1 : i32
    scf.for %parallel_loop3A_109 = %parallel_loop3A_86 to %parallel_loop3A_87 step %parallel_loop3A_88  : i32 {
      %parallel_loop3A_110 = arith.index_cast %parallel_loop3A_109 : i32 to index
      %parallel_loop3A_111 = arith.constant 0 : index
      %parallel_loop3A_112 = tpu.vector_load %arg6[%parallel_loop3A_110, %parallel_loop3A_111] {strides = array<i32>} : memref<256x64xf32, #tpu.memory_space<vmem>>, vector<16xf32>,
      %parallel_loop3A_113 = arith.constant dense<true> : vector<16xi1>
      %parallel_loop3A_114, %parallel_loop3A_115, %parallel_loop3A_116 = tpu.sort %parallel_loop3A_112, %add3A_15 masked %parallel_loop3A_113 {descending = true} : (vector<16xf32>, vector<16xi32>, vector<16xi1>) -> (vector<16xi1>, vector<16xf32>, vector<16xi32>)
      %parallel_loop3A_117 = arith.index_cast %parallel_loop3A_109 : i32 to index
      %parallel_loop3A_118 = arith.constant 16 : index
      %parallel_loop3A_119 = tpu.vector_load %arg6[%parallel_loop3A_117, %parallel_loop3A_118] {strides = array<i32>} : memref<256x64xf32, #tpu.memory_space<vmem>>, vector<16xf32>,
      %parallel_loop3A_120 = arith.constant dense<true> : vector<16xi1>
      %parallel_loop3A_121, %parallel_loop3A_122, %parallel_loop3A_123 = tpu.sort %parallel_loop3A_119, %add3A_18 masked %parallel_loop3A_120 : (vector<16xf32>, vector<16xi32>, vector<16xi1>) -> (vector<16xi1>, vector<16xf32>, vector<16xi32>)
      %parallel_loop3A_124 = arith.index_cast %parallel_loop3A_109 : i32 to index
      %parallel_loop3A_125 = arith.constant 32 : index
      %parallel_loop3A_126 = tpu.vector_load %arg6[%parallel_loop3A_124, %parallel_loop3A_125] {strides = array<i32>} : memref<256x64xf32, #tpu.memory_space<vmem>>, vector<16xf32>,
      %parallel_loop3A_127 = arith.constant dense<true> : vector<16xi1>
      %parallel_loop3A_128, %parallel_loop3A_129, %parallel_loop3A_130 = tpu.sort %parallel_loop3A_126, %add3A_21 masked %parallel_loop3A_127 {descending = true} : (vector<16xf32>, vector<16xi32>, vector<16xi1>) -> (vector<16xi1>, vector<16xf32>, vector<16xi32>)
      %parallel_loop3A_131 = arith.index_cast %parallel_loop3A_109 : i32 to index
      %parallel_loop3A_132 = arith.constant 48 : index
      %parallel_loop3A_133 = tpu.vector_load %arg6[%parallel_loop3A_131, %parallel_loop3A_132] {strides = array<i32>} : memref<256x64xf32, #tpu.memory_space<vmem>>, vector<16xf32>,
      %parallel_loop3A_134 = arith.constant dense<true> : vector<16xi1>
      %parallel_loop3A_135, %parallel_loop3A_136, %parallel_loop3A_137 = tpu.sort %parallel_loop3A_133, %add3A_24 masked %parallel_loop3A_134 : (vector<16xf32>, vector<16xi32>, vector<16xi1>) -> (vector<16xi1>, vector<16xf32>, vector<16xi32>)
      %parallel_loop3A_138 = arith.cmpf oge, %parallel_loop3A_115, %parallel_loop3A_122 : vector<16xf32>
      %parallel_loop3A_139 = arith.maximumf %parallel_loop3A_115, %parallel_loop3A_122 : vector<16xf32>
      %parallel_loop3A_140 = arith.select %parallel_loop3A_138, %parallel_loop3A_116, %parallel_loop3A_123 : vector<16xi1>, vector<16xi32>
      %parallel_loop3A_141 = arith.constant dense<true> : vector<16xi1>
      %parallel_loop3A_142, %parallel_loop3A_143, %parallel_loop3A_144 = tpu.sort %parallel_loop3A_139, %parallel_loop3A_140 masked %parallel_loop3A_141 {descending = true} : (vector<16xf32>, vector<16xi32>, vector<16xi1>) -> (vector<16xi1>, vector<16xf32>, vector<16xi32>)
      %parallel_loop3A_145 = arith.cmpf oge, %parallel_loop3A_129, %parallel_loop3A_136 : vector<16xf32>
      %parallel_loop3A_146 = arith.maximumf %parallel_loop3A_129, %parallel_loop3A_136 : vector<16xf32>
      %parallel_loop3A_147 = arith.select %parallel_loop3A_145, %parallel_loop3A_130, %parallel_loop3A_137 : vector<16xi1>, vector<16xi32>
      %parallel_loop3A_148 = arith.constant dense<true> : vector<16xi1>
      %parallel_loop3A_149, %parallel_loop3A_150, %parallel_loop3A_151 = tpu.sort %parallel_loop3A_146, %parallel_loop3A_147 masked %parallel_loop3A_148 : (vector<16xf32>, vector<16xi32>, vector<16xi1>) -> (vector<16xi1>, vector<16xf32>, vector<16xi32>)
      %parallel_loop3A_152 = arith.cmpf oge, %parallel_loop3A_143, %parallel_loop3A_150 : vector<16xf32>
      %parallel_loop3A_153 = arith.maximumf %parallel_loop3A_143, %parallel_loop3A_150 : vector<16xf32>
      %parallel_loop3A_154 = arith.select %parallel_loop3A_152, %parallel_loop3A_144, %parallel_loop3A_151 : vector<16xi1>, vector<16xi32>
      %parallel_loop3A_155 = vector.shape_cast %and3A_12 : vector<16xi32> to vector<16x1xi32>
      %parallel_loop3A_156 = vector.shape_cast %parallel_loop3A_155 : vector<16x1xi32> to vector<16xi32>
      %parallel_loop3A_157 = tpu.dynamic_gather %parallel_loop3A_153[%parallel_loop3A_156] in [0] : vector<16xf32>, vector<16xi32> -> vector<16xf32>
      %parallel_loop3A_158 = arith.cmpf oge, %parallel_loop3A_153, %parallel_loop3A_157 : vector<16xf32>
      %parallel_loop3A_159 = arith.cmpf ogt, %parallel_loop3A_153, %parallel_loop3A_157 : vector<16xf32>
      %parallel_loop3A_160 = arith.select %lt3A_7, %parallel_loop3A_158, %parallel_loop3A_159 : vector<16xi1>, vector<16xi1>
      tpu.vector_store_idx %arg7[%parallel_loop3A_154], %broadcast_in_dim3A_5 masked %parallel_loop3A_160 {add = true} : memref<128xf32, #tpu.memory_space<vmem>>[vector<16xi32>], vector<16xf32>, vector<16xi1>
    } {sc.loop_unroll_factor = 4 : i64, sc.parallel_access}
    %add3A_89 = arith.constant 256 : i32
    %add3A_90 = arith.addi %mul3A_2, %add3A_89 : i32
    %dma_start3A_91 = arith.constant 0 : i32
    %dma_start3A_92 = tpu.memref_slice %arg3[%add3A_90, %dma_start3A_91] : memref<16384x64xf32, #tpu.memory_space<hbm>> -> memref<256x64xf32, #tpu.memory_space<hbm>>
    %dma_start3A_93 = arith.constant 0 : i32
    %dma_start3A_94 = tpu.memref_slice %arg3[%add3A_90, %dma_start3A_93] : memref<16384x64xf32, #tpu.memory_space<hbm>> -> memref<256x64xf32, #tpu.memory_space<hbm>>
    tpu.enqueue_dma source(%dma_start3A_94 : memref<256x64xf32, #tpu.memory_space<hbm>>) target(%arg6 : memref<256x64xf32, #tpu.memory_space<vmem>>) target_semaphore(%arg9 : memref<!tpu.dma_semaphore, #tpu.memory_space<semaphore_mem>>)
    %dma_wait3A_95 = arith.constant 0 : i32
    %dma_wait3A_96 = tpu.memref_slice %arg3[%mul3A_2, %dma_wait3A_95] : memref<16384x64xf32, #tpu.memory_space<hbm>> -> memref<256x64xf32, #tpu.memory_space<hbm>>
    %dma_wait3A_97 = arith.constant 0 : i32
    %dma_wait3A_98 = tpu.memref_slice %arg3[%mul3A_2, %dma_wait3A_97] : memref<16384x64xf32, #tpu.memory_space<hbm>> -> memref<256x64xf32, #tpu.memory_space<hbm>>
    tpu.wait_dma2 semaphore(%arg8 : memref<!tpu.dma_semaphore, #tpu.memory_space<semaphore_mem>>) src(%dma_wait3A_98 : memref<256x64xf32, #tpu.memory_space<hbm>>) dst(%arg5 : memref<256x64xf32, #tpu.memory_space<vmem>>)
    %parallel_loop3A_99 = arith.constant 0 : i32
    %parallel_loop3A_100 = arith.constant 256 : i32
    %parallel_loop3A_101 = arith.constant 1 : i32
    scf.for %parallel_loop3A_109 = %parallel_loop3A_99 to %parallel_loop3A_100 step %parallel_loop3A_101  : i32 {
      %parallel_loop3A_110 = arith.index_cast %parallel_loop3A_109 : i32 to index
      %parallel_loop3A_111 = arith.constant 0 : index
      %parallel_loop3A_112 = tpu.vector_load %arg5[%parallel_loop3A_110, %parallel_loop3A_111] {strides = array<i32>} : memref<256x64xf32, #tpu.memory_space<vmem>>, vector<16xf32>,
      %parallel_loop3A_113 = arith.constant dense<true> : vector<16xi1>
      %parallel_loop3A_114, %parallel_loop3A_115, %parallel_loop3A_116 = tpu.sort %parallel_loop3A_112, %add3A_30 masked %parallel_loop3A_113 {descending = true} : (vector<16xf32>, vector<16xi32>, vector<16xi1>) -> (vector<16xi1>, vector<16xf32>, vector<16xi32>)
      %parallel_loop3A_117 = arith.index_cast %parallel_loop3A_109 : i32 to index
      %parallel_loop3A_118 = arith.constant 16 : index
      %parallel_loop3A_119 = tpu.vector_load %arg5[%parallel_loop3A_117, %parallel_loop3A_118] {strides = array<i32>} : memref<256x64xf32, #tpu.memory_space<vmem>>, vector<16xf32>,
      %parallel_loop3A_120 = arith.constant dense<true> : vector<16xi1>
      %parallel_loop3A_121, %parallel_loop3A_122, %parallel_loop3A_123 = tpu.sort %parallel_loop3A_119, %add3A_36 masked %parallel_loop3A_120 : (vector<16xf32>, vector<16xi32>, vector<16xi1>) -> (vector<16xi1>, vector<16xf32>, vector<16xi32>)
      %parallel_loop3A_124 = arith.index_cast %parallel_loop3A_109 : i32 to index
      %parallel_loop3A_125 = arith.constant 32 : index
      %parallel_loop3A_126 = tpu.vector_load %arg5[%parallel_loop3A_124, %parallel_loop3A_125] {strides = array<i32>} : memref<256x64xf32, #tpu.memory_space<vmem>>, vector<16xf32>,
      %parallel_loop3A_127 = arith.constant dense<true> : vector<16xi1>
      %parallel_loop3A_128, %parallel_loop3A_129, %parallel_loop3A_130 = tpu.sort %parallel_loop3A_126, %add3A_42 masked %parallel_loop3A_127 {descending = true} : (vector<16xf32>, vector<16xi32>, vector<16xi1>) -> (vector<16xi1>, vector<16xf32>, vector<16xi32>)
      %parallel_loop3A_131 = arith.index_cast %parallel_loop3A_109 : i32 to index
      %parallel_loop3A_132 = arith.constant 48 : index
      %parallel_loop3A_133 = tpu.vector_load %arg5[%parallel_loop3A_131, %parallel_loop3A_132] {strides = array<i32>} : memref<256x64xf32, #tpu.memory_space<vmem>>, vector<16xf32>,
      %parallel_loop3A_134 = arith.constant dense<true> : vector<16xi1>
      %parallel_loop3A_135, %parallel_loop3A_136, %parallel_loop3A_137 = tpu.sort %parallel_loop3A_133, %add3A_48 masked %parallel_loop3A_134 : (vector<16xf32>, vector<16xi32>, vector<16xi1>) -> (vector<16xi1>, vector<16xf32>, vector<16xi32>)
      %parallel_loop3A_138 = arith.cmpf oge, %parallel_loop3A_115, %parallel_loop3A_122 : vector<16xf32>
      %parallel_loop3A_139 = arith.maximumf %parallel_loop3A_115, %parallel_loop3A_122 : vector<16xf32>
      %parallel_loop3A_140 = arith.select %parallel_loop3A_138, %parallel_loop3A_116, %parallel_loop3A_123 : vector<16xi1>, vector<16xi32>
      %parallel_loop3A_141 = arith.constant dense<true> : vector<16xi1>
      %parallel_loop3A_142, %parallel_loop3A_143, %parallel_loop3A_144 = tpu.sort %parallel_loop3A_139, %parallel_loop3A_140 masked %parallel_loop3A_141 {descending = true} : (vector<16xf32>, vector<16xi32>, vector<16xi1>) -> (vector<16xi1>, vector<16xf32>, vector<16xi32>)
      %parallel_loop3A_145 = arith.cmpf oge, %parallel_loop3A_129, %parallel_loop3A_136 : vector<16xf32>
      %parallel_loop3A_146 = arith.maximumf %parallel_loop3A_129, %parallel_loop3A_136 : vector<16xf32>
      %parallel_loop3A_147 = arith.select %parallel_loop3A_145, %parallel_loop3A_130, %parallel_loop3A_137 : vector<16xi1>, vector<16xi32>
      %parallel_loop3A_148 = arith.constant dense<true> : vector<16xi1>
      %parallel_loop3A_149, %parallel_loop3A_150, %parallel_loop3A_151 = tpu.sort %parallel_loop3A_146, %parallel_loop3A_147 masked %parallel_loop3A_148 : (vector<16xf32>, vector<16xi32>, vector<16xi1>) -> (vector<16xi1>, vector<16xf32>, vector<16xi32>)
      %parallel_loop3A_152 = arith.cmpf oge, %parallel_loop3A_143, %parallel_loop3A_150 : vector<16xf32>
      %parallel_loop3A_153 = arith.maximumf %parallel_loop3A_143, %parallel_loop3A_150 : vector<16xf32>
      %parallel_loop3A_154 = arith.select %parallel_loop3A_152, %parallel_loop3A_144, %parallel_loop3A_151 : vector<16xi1>, vector<16xi32>
      %parallel_loop3A_155 = vector.shape_cast %and3A_12 : vector<16xi32> to vector<16x1xi32>
      %parallel_loop3A_156 = vector.shape_cast %parallel_loop3A_155 : vector<16x1xi32> to vector<16xi32>
      %parallel_loop3A_157 = tpu.dynamic_gather %parallel_loop3A_153[%parallel_loop3A_156] in [0] : vector<16xf32>, vector<16xi32> -> vector<16xf32>
      %parallel_loop3A_158 = arith.cmpf oge, %parallel_loop3A_153, %parallel_loop3A_157 : vector<16xf32>
      %parallel_loop3A_159 = arith.cmpf ogt, %parallel_loop3A_153, %parallel_loop3A_157 : vector<16xf32>
      %parallel_loop3A_160 = arith.select %lt3A_7, %parallel_loop3A_158, %parallel_loop3A_159 : vector<16xi1>, vector<16xi1>
      tpu.vector_store_idx %arg7[%parallel_loop3A_154], %broadcast_in_dim3A_5 masked %parallel_loop3A_160 {add = true} : memref<128xf32, #tpu.memory_space<vmem>>[vector<16xi32>], vector<16xf32>, vector<16xi1>
    } {sc.loop_unroll_factor = 4 : i64, sc.parallel_access}
    %dma_wait3A_102 = arith.constant 0 : i32
    %dma_wait3A_103 = tpu.memref_slice %arg3[%add3A_90, %dma_wait3A_102] : memref<16384x64xf32, #tpu.memory_space<hbm>> -> memref<256x64xf32, #tpu.memory_space<hbm>>
    %dma_wait3A_104 = arith.constant 0 : i32
    %dma_wait3A_105 = tpu.memref_slice %arg3[%add3A_90, %dma_wait3A_104] : memref<16384x64xf32, #tpu.memory_space<hbm>> -> memref<256x64xf32, #tpu.memory_space<hbm>>
    tpu.wait_dma2 semaphore(%arg9 : memref<!tpu.dma_semaphore, #tpu.memory_space<semaphore_mem>>) src(%dma_wait3A_105 : memref<256x64xf32, #tpu.memory_space<hbm>>) dst(%arg6 : memref<256x64xf32, #tpu.memory_space<vmem>>)
    %parallel_loop3A_106 = arith.constant 0 : i32
    %parallel_loop3A_107 = arith.constant 256 : i32
    %parallel_loop3A_108 = arith.constant 1 : i32
    scf.for %parallel_loop3A_109 = %parallel_loop3A_106 to %parallel_loop3A_107 step %parallel_loop3A_108  : i32 {
      %parallel_loop3A_110 = arith.index_cast %parallel_loop3A_109 : i32 to index
      %parallel_loop3A_111 = arith.constant 0 : index
      %parallel_loop3A_112 = tpu.vector_load %arg6[%parallel_loop3A_110, %parallel_loop3A_111] {strides = array<i32>} : memref<256x64xf32, #tpu.memory_space<vmem>>, vector<16xf32>,
      %parallel_loop3A_113 = arith.constant dense<true> : vector<16xi1>
      %parallel_loop3A_114, %parallel_loop3A_115, %parallel_loop3A_116 = tpu.sort %parallel_loop3A_112, %add3A_30 masked %parallel_loop3A_113 {descending = true} : (vector<16xf32>, vector<16xi32>, vector<16xi1>) -> (vector<16xi1>, vector<16xf32>, vector<16xi32>)
      %parallel_loop3A_117 = arith.index_cast %parallel_loop3A_109 : i32 to index
      %parallel_loop3A_118 = arith.constant 16 : index
      %parallel_loop3A_119 = tpu.vector_load %arg6[%parallel_loop3A_117, %parallel_loop3A_118] {strides = array<i32>} : memref<256x64xf32, #tpu.memory_space<vmem>>, vector<16xf32>,
      %parallel_loop3A_120 = arith.constant dense<true> : vector<16xi1>
      %parallel_loop3A_121, %parallel_loop3A_122, %parallel_loop3A_123 = tpu.sort %parallel_loop3A_119, %add3A_36 masked %parallel_loop3A_120 : (vector<16xf32>, vector<16xi32>, vector<16xi1>) -> (vector<16xi1>, vector<16xf32>, vector<16xi32>)
      %parallel_loop3A_124 = arith.index_cast %parallel_loop3A_109 : i32 to index
      %parallel_loop3A_125 = arith.constant 32 : index
      %parallel_loop3A_126 = tpu.vector_load %arg6[%parallel_loop3A_124, %parallel_loop3A_125] {strides = array<i32>} : memref<256x64xf32, #tpu.memory_space<vmem>>, vector<16xf32>,
      %parallel_loop3A_127 = arith.constant dense<true> : vector<16xi1>
      %parallel_loop3A_128, %parallel_loop3A_129, %parallel_loop3A_130 = tpu.sort %parallel_loop3A_126, %add3A_42 masked %parallel_loop3A_127 {descending = true} : (vector<16xf32>, vector<16xi32>, vector<16xi1>) -> (vector<16xi1>, vector<16xf32>, vector<16xi32>)
      %parallel_loop3A_131 = arith.index_cast %parallel_loop3A_109 : i32 to index
      %parallel_loop3A_132 = arith.constant 48 : index
      %parallel_loop3A_133 = tpu.vector_load %arg6[%parallel_loop3A_131, %parallel_loop3A_132] {strides = array<i32>} : memref<256x64xf32, #tpu.memory_space<vmem>>, vector<16xf32>,
      %parallel_loop3A_134 = arith.constant dense<true> : vector<16xi1>
      %parallel_loop3A_135, %parallel_loop3A_136, %parallel_loop3A_137 = tpu.sort %parallel_loop3A_133, %add3A_48 masked %parallel_loop3A_134 : (vector<16xf32>, vector<16xi32>, vector<16xi1>) -> (vector<16xi1>, vector<16xf32>, vector<16xi32>)
      %parallel_loop3A_138 = arith.cmpf oge, %parallel_loop3A_115, %parallel_loop3A_122 : vector<16xf32>
      %parallel_loop3A_139 = arith.maximumf %parallel_loop3A_115, %parallel_loop3A_122 : vector<16xf32>
      %parallel_loop3A_140 = arith.select %parallel_loop3A_138, %parallel_loop3A_116, %parallel_loop3A_123 : vector<16xi1>, vector<16xi32>
      %parallel_loop3A_141 = arith.constant dense<true> : vector<16xi1>
      %parallel_loop3A_142, %parallel_loop3A_143, %parallel_loop3A_144 = tpu.sort %parallel_loop3A_139, %parallel_loop3A_140 masked %parallel_loop3A_141 {descending = true} : (vector<16xf32>, vector<16xi32>, vector<16xi1>) -> (vector<16xi1>, vector<16xf32>, vector<16xi32>)
      %parallel_loop3A_145 = arith.cmpf oge, %parallel_loop3A_129, %parallel_loop3A_136 : vector<16xf32>
      %parallel_loop3A_146 = arith.maximumf %parallel_loop3A_129, %parallel_loop3A_136 : vector<16xf32>
      %parallel_loop3A_147 = arith.select %parallel_loop3A_145, %parallel_loop3A_130, %parallel_loop3A_137 : vector<16xi1>, vector<16xi32>
      %parallel_loop3A_148 = arith.constant dense<true> : vector<16xi1>
      %parallel_loop3A_149, %parallel_loop3A_150, %parallel_loop3A_151 = tpu.sort %parallel_loop3A_146, %parallel_loop3A_147 masked %parallel_loop3A_148 : (vector<16xf32>, vector<16xi32>, vector<16xi1>) -> (vector<16xi1>, vector<16xf32>, vector<16xi32>)
      %parallel_loop3A_152 = arith.cmpf oge, %parallel_loop3A_143, %parallel_loop3A_150 : vector<16xf32>
      %parallel_loop3A_153 = arith.maximumf %parallel_loop3A_143, %parallel_loop3A_150 : vector<16xf32>
      %parallel_loop3A_154 = arith.select %parallel_loop3A_152, %parallel_loop3A_144, %parallel_loop3A_151 : vector<16xi1>, vector<16xi32>
      %parallel_loop3A_155 = vector.shape_cast %and3A_12 : vector<16xi32> to vector<16x1xi32>
      %parallel_loop3A_156 = vector.shape_cast %parallel_loop3A_155 : vector<16x1xi32> to vector<16xi32>
      %parallel_loop3A_157 = tpu.dynamic_gather %parallel_loop3A_153[%parallel_loop3A_156] in [0] : vector<16xf32>, vector<16xi32> -> vector<16xf32>
      %parallel_loop3A_158 = arith.cmpf oge, %parallel_loop3A_153, %parallel_loop3A_157 : vector<16xf32>
      %parallel_loop3A_159 = arith.cmpf ogt, %parallel_loop3A_153, %parallel_loop3A_157 : vector<16xf32>
      %parallel_loop3A_160 = arith.select %lt3A_7, %parallel_loop3A_158, %parallel_loop3A_159 : vector<16xi1>, vector<16xi1>
      tpu.vector_store_idx %arg7[%parallel_loop3A_154], %broadcast_in_dim3A_5 masked %parallel_loop3A_160 {add = true} : memref<128xf32, #tpu.memory_space<vmem>>[vector<16xi32>], vector<16xf32>, vector<16xi1>
    } {sc.loop_unroll_factor = 4 : i64, sc.parallel_access}
    "tpu.region"() ({
      %run_scoped3A = tpu.sem_alloc : memref<!tpu.dma_semaphore, #tpu.memory_space<semaphore_mem>>
      %dma_start3A_109 = arith.constant 0 : i32
      %dma_start3A_110 = tpu.memref_slice %arg4[%add3A, %dma_start3A_109] : memref<32x128xf32, #tpu.memory_space<hbm>> -> memref<1x128xf32, #tpu.memory_space<hbm>>
      %dma_start3A_111 = tpu.memref_squeeze %dma_start3A_110 : memref<1x128xf32, #tpu.memory_space<hbm>> -> memref<128xf32, #tpu.memory_space<hbm>>
      %dma_start3A_112 = arith.constant 0 : i32
      %dma_start3A_113 = tpu.memref_slice %arg4[%add3A, %dma_start3A_112] : memref<32x128xf32, #tpu.memory_space<hbm>> -> memref<1x128xf32, #tpu.memory_space<hbm>>
      %dma_start3A_114 = tpu.memref_squeeze %dma_start3A_113 : memref<1x128xf32, #tpu.memory_space<hbm>> -> memref<128xf32, #tpu.memory_space<hbm>>
      tpu.enqueue_dma source(%arg7 : memref<128xf32, #tpu.memory_space<vmem>>) target(%dma_start3A_114 : memref<128xf32, #tpu.memory_space<hbm>>) target_semaphore(%run_scoped3A : memref<!tpu.dma_semaphore, #tpu.memory_space<semaphore_mem>>)
      %dma_wait3A_115 = arith.constant 0 : i32
      %dma_wait3A_116 = tpu.memref_slice %arg4[%add3A, %dma_wait3A_115] : memref<32x128xf32, #tpu.memory_space<hbm>> -> memref<1x128xf32, #tpu.memory_space<hbm>>
      %dma_wait3A_117 = tpu.memref_squeeze %dma_wait3A_116 : memref<1x128xf32, #tpu.memory_space<hbm>> -> memref<128xf32, #tpu.memory_space<hbm>>
      %dma_wait3A_118 = arith.constant 0 : i32
      %dma_wait3A_119 = tpu.memref_slice %arg4[%add3A, %dma_wait3A_118] : memref<32x128xf32, #tpu.memory_space<hbm>> -> memref<1x128xf32, #tpu.memory_space<hbm>>
      %dma_wait3A_120 = tpu.memref_squeeze %dma_wait3A_119 : memref<1x128xf32, #tpu.memory_space<hbm>> -> memref<128xf32, #tpu.memory_space<hbm>>
      tpu.wait_dma2 semaphore(%run_scoped3A : memref<!tpu.dma_semaphore, #tpu.memory_space<semaphore_mem>>) src(%arg7 : memref<128xf32, #tpu.memory_space<vmem>>) dst(%dma_wait3A_120 : memref<128xf32, #tpu.memory_space<hbm>>)
      tpu.yield
    }) : () -> ()
    return
  }
}

module attributes {stable_mosaic.version = 14 : i64} {
  func.func @_tc_colsum_body(%arg0: memref<16384x64xf32, #tpu.memory_space<vmem>>, %arg1: memref<1x64xf32, #tpu.memory_space<vmem>>) attributes {dimension_semantics = [], scalar_prefetch = 0 : i64, scratch_operands = 0 : i64, tpu.core_type = #tpu.core_type<tc>} {
    %get3A = arith.constant 0 : index
    %get3A_0 = arith.constant 0 : index
    %get3A_1 = vector.load %arg0[%get3A, %get3A_0] : memref<16384x64xf32, #tpu.memory_space<vmem>>, vector<16384x64xf32>
    %reduce_sum3A = arith.constant dense<0.000000e+00> : vector<64xf32>
    %reduce_sum3A_2 = vector.multi_reduction <add>, %get3A_1, %reduce_sum3A [0] : vector<16384x64xf32> to vector<64xf32>
    %broadcast_in_dim3A = vector.shape_cast %reduce_sum3A_2 : vector<64xf32> to vector<1x64xf32>
    %swap3A = arith.constant 0 : index
    %swap3A_3 = arith.constant 0 : index
    %swap3A_4 = vector.load %arg1[%swap3A, %swap3A_3] : memref<1x64xf32, #tpu.memory_space<vmem>>, vector<1x64xf32>
    tpu.vector_store %arg1[%swap3A, %swap3A_3], %broadcast_in_dim3A {strides = array<i32>} : memref<1x64xf32, #tpu.memory_space<vmem>>, vector<1x64xf32>,
    return
  }
}

module attributes {stable_mosaic.version = 14 : i64} {
  func.func @_combine_body(%arg0: memref<32x128xf32, #tpu.memory_space<vmem>>, %arg1: memref<1x64xf32, #tpu.memory_space<vmem>>, %arg2: memref<3x64xf32, #tpu.memory_space<vmem>>) attributes {dimension_semantics = [], scalar_prefetch = 0 : i64, scratch_operands = 0 : i64, tpu.core_type = #tpu.core_type<tc>} {
    %get3A = arith.constant 0 : index
    %get3A_0 = arith.constant 0 : index
    %get3A_1 = vector.load %arg0[%get3A, %get3A_0] : memref<32x128xf32, #tpu.memory_space<vmem>>, vector<32x128xf32>
    %reduce_sum3A = arith.constant dense<0.000000e+00> : vector<128xf32>
    %reduce_sum3A_2 = vector.multi_reduction <add>, %get3A_1, %reduce_sum3A [0] : vector<32x128xf32> to vector<128xf32>
    %broadcast_in_dim3A = vector.shape_cast %reduce_sum3A_2 : vector<128xf32> to vector<1x128xf32>
    %slice3A = vector.extract_strided_slice %broadcast_in_dim3A {offsets = [0, 0], sizes = [1, 64], strides = [1, 1]} : vector<1x128xf32> to vector<1x64xf32>
    %swap3A = arith.constant 0 : index
    %swap3A_3 = arith.constant 0 : index
    %swap3A_4 = vector.load %arg2[%swap3A, %swap3A_3] : memref<3x64xf32, #tpu.memory_space<vmem>>, vector<1x64xf32>
    tpu.vector_store %arg2[%swap3A, %swap3A_3], %slice3A {strides = array<i32>} : memref<3x64xf32, #tpu.memory_space<vmem>>, vector<1x64xf32>,
    %slice3A_5 = vector.extract_strided_slice %broadcast_in_dim3A {offsets = [0, 64], sizes = [1, 64], strides = [1, 1]} : vector<1x128xf32> to vector<1x64xf32>
    %swap3A_6 = arith.constant 1 : index
    %swap3A_7 = arith.constant 0 : index
    %swap3A_8 = vector.load %arg2[%swap3A_6, %swap3A_7] : memref<3x64xf32, #tpu.memory_space<vmem>>, vector<1x64xf32>
    tpu.vector_store %arg2[%swap3A_6, %swap3A_7], %slice3A_5 {strides = array<i32>} : memref<3x64xf32, #tpu.memory_space<vmem>>, vector<1x64xf32>,
    %get3A_9 = arith.constant 0 : index
    %get3A_10 = arith.constant 0 : index
    %get3A_11 = vector.load %arg1[%get3A_9, %get3A_10] : memref<1x64xf32, #tpu.memory_space<vmem>>, vector<1x64xf32>
    %swap3A_12 = arith.constant 2 : index
    %swap3A_13 = arith.constant 0 : index
    %swap3A_14 = vector.load %arg2[%swap3A_12, %swap3A_13] : memref<3x64xf32, #tpu.memory_space<vmem>>, vector<1x64xf32>
    tpu.vector_store %arg2[%swap3A_12, %swap3A_13], %get3A_11 {strides = array<i32>} : memref<3x64xf32, #tpu.memory_space<vmem>>, vector<1x64xf32>,
    return
  }
}

</mosaic_0001>

<sc_bundles>
// kernel: kernel.5.cloned.1.call-start
scs
__scs_entry_jumppad:
0x0: {  	(pc) =	sbr.rel $0x88, $3  }
0x1: {  	(tag) =	ssettag $0x0;
	lr =	simm.s32 $0x1  }
0x2: {  	[smem:$0x3F9F] =	sst lr;
	_ =	strace $0xD0000000  }
0x3: {  	_ = 	snop  }
0x4: {  	_ = 	snop  }
0x5: {  	_ = 	snop  }
0x6: {  	_ = 	snop  }
0x7: {  	_ = 	snop  }
__scs_overlays_trampoline_lowered:
0x8: {  	[smem:$0x3FAE] =	sst s0  }
0x9: {  	[smem:$0x3FAF] =	sst s1  }
0xa: {  	[smem:$0x3FB0] =	sst s2  }
0xb: {  	[smem:$0x3FB1] =	sst s3  }
0xc: {  	[smem:$0x3FB2] =	sst s4  }
0xd: {  	[smem:$0x3FB3] =	sst s5  }
0xe: {  	[smem:$0x3FB4] =	sst s6  }
0xf: {  	[smem:$0x3FB5] =	sst s7  }
0x10: {  	[smem:$0x3FB6] =	sst s8  }
0x11: {  	[smem:$0x3FB7] =	sst s9;
	s0 =	simm.s32 @!p0 $0x0  }
0x12: {  	s1 =	sld [smem:$0x3F9D];
	s0 =	simm.s32 @p0 $0x1  }
0x13: {  	[smem:$0x3FB8] =	sst s0;
	s0 =	simm.s32 @!p1 $0x0  }
0x14: {  	s2 =	sld [smem:$0x3F9C];
	s0 =	simm.s32 @p1 $0x1  }
0x15: {  	[smem:$0x3FB9] =	sst s0;
	s0 =	simm.s32 @!p2 $0x0  }
0x16: {  	s3 =	sld [smem:$0x3FDB];
	s0 =	simm.s32 @p2 $0x1  }
0x17: {  	s4 =	simm.s32 $0x1BF5;
	[smem:$0x3FBB] =	sst s0  }
0x18: {  	s0 =	sld [smem:$0x3F9E];
	_ =	swait.ge [sflag:s4], $0x0  }
0x19: {  	s7 =	sld [smem:$0x3F9F]  }
0x1a: {  	s8 =	sadd.s32 $0xFFFFE003, lr  }
0x1b: {  	s9 =	sadd.s32 $0xFFFFFEF7, lr;
	s5 =	simm.s32 $0xFFFFFFFF;
	p2 =	slt.u32 s8, $0xFFFFF086  }
0x1c: {  	p1 =	slt.u32 s9, $0xF7A;
	s5 =	simm.s32 @!p2 $0x0  }
0x1d: {  	s5 =	simm.s32 @p1 $0x1;
	p0 =	seq.s32 s7, s2  }
0x1e: {  	s7 =	smul.u32 @!p0 $0xF7A, s2;
	p2 =	seq.s32 @!p0 s5, $0x0  }
0x1f: {  	s9 =	smul.u32 $0xF7A, s1;
	s8 =	simm.s32 @!p0 $0x1BF5;
	p2 =	por !p2, p0  }
0x20: {  	[sflag:s8] =	ssyncset.s32 @!p0 $0xFFFFF086;
	s6 =	sadd.s32 @!p0 s3, s7;
	s7 =	simm.s32 @!p0 $0x108  }
0x21: {  	s3 =	sadd.s32 s3, s9;
	s6 =	sadd.s32 @!p0 $0x88, s6;
	s7 =	simm.s32 @p2 $0x1082  }
0x22: {  	[simem:s7], [sflag:s8] =	dma.local @!p0 [hbm:s6], $0xF7A  }
0x23: {  	s9 =	sor.u32 $0xD0000000, s2;
	s6 =	simm.s32 $0x108;
	_ =	swait.ge @!p0 [sflag:s8], $0x0  }
0x24: {  	s3 =	sadd.s32 $0x88, s3;
	s6 =	simm.s32 @!p1 $0x1082;
	[sflag:s4] =	ssyncset.s32 $0xFFFFF086  }
0x25: {  	[simem:s6], [sflag:s4] =	dma.local [hbm:s3], $0xF7A  }
0x26: {  	[smem:$0x3F9F] =	sst s1;
	(tag) =	ssettag s2;
	_ =	strace s9  }
0x27: {  	s1 =	sld [smem:$0x3FAF]  }
0x28: {  	s2 =	sld [smem:$0x3FB0]  }
0x29: {  	s4 =	sld [smem:$0x3FB2]  }
0x2a: {  	p0 =	seq.s32 s5, $0x0;
	s5 =	sld [smem:$0x3FB3]  }
0x2b: {  	s6 =	sld [smem:$0x3FB4]  }
0x2c: {  	s7 =	sld [smem:$0x3FB5]  }
0x2d: {  	s3 =	simm.s32 $0x108;
	s8 =	sld [smem:$0x3FB6]  }
0x2e: {  	s3 =	simm.s32 @!p0 $0x1082;
	s9 =	sld [smem:$0x3FB7]  }
0x2f: {  	lr =	sadd.s32 s0, s3;
	s0 =	sld [smem:$0x3FAE]  }
0x30: {  	s3 =	sld [smem:$0x3FB1]  }
0x31: {  	[smem:$0x3FBA] =	sst s10  }
0x32: {  	s10 =	sld [smem:$0x3FB8];
	_ =	sdelay $0x3  }
0x33: {  	p0 =	seq.s32 s10, $0x1;
	s10 =	sld [smem:$0x3FBA];
	_ =	sdelay $0x3  }
0x34: {  	[smem:$0x3FBA] =	sst s10  }
0x35: {  	s10 =	sld [smem:$0x3FB9];
	_ =	sdelay $0x3  }
0x36: {  	p1 =	seq.s32 s10, $0x1;
	s10 =	sld [smem:$0x3FBA];
	_ =	sdelay $0x3  }
0x37: {  	[smem:$0x3FBA] =	sst s10  }
0x38: {  	s10 =	sld [smem:$0x3FBB]  }
0x39: {  	_ = 	snop;
	(pc) =	sbr.ind lr, $3  }
0x3a: {  	_ = 	snop  }
0x3b: {  	_ = 	snop  }
0x3c: {  	p2 =	seq.s32 s10, $0x1;
	s10 =	sld [smem:$0x3FBA]  }
0x3d: {  	_ =	shalt  }
0x3e: {  	_ =	shalt  }
0x3f: {  	_ =	shalt  }
0x40: {  	_ =	shalt  }
0x41: {  	_ =	shalt  }
0x42: {  	_ =	shalt  }
0x43: {  	_ =	shalt  }
0x44: {  	_ =	shalt  }
0x45: {  	_ =	shalt  }
0x46: {  	_ =	shalt  }
0x47: {  	_ =	shalt  }
0x48: {  	_ =	shalt  }
0x49: {  	_ =	shalt  }
0x4a: {  	_ =	shalt  }
0x4b: {  	_ =	shalt  }
0x4c: {  	_ =	shalt  }
0x4d: {  	_ =	shalt  }
0x4e: {  	_ =	shalt  }
0x4f: {  	_ =	shalt  }
0x50: {  	_ =	shalt  }
0x51: {  	_ =	shalt  }
0x52: {  	_ =	shalt  }
0x53: {  	_ =	shalt  }
0x54: {  	_ =	shalt  }
0x55: {  	_ =	shalt  }
0x56: {  	_ =	shalt  }
0x57: {  	_ =	shalt  }
0x58: {  	_ =	shalt  }
0x59: {  	_ =	shalt  }
0x5a: {  	_ =	shalt  }
0x5b: {  	_ =	shalt  }
0x5c: {  	_ =	shalt  }
0x5d: {  	_ =	shalt  }
0x5e: {  	_ =	shalt  }
0x5f: {  	_ =	shalt  }
0x60: {  	_ =	shalt  }
0x61: {  	_ =	shalt  }
0x62: {  	_ =	shalt  }
0x63: {  	_ =	shalt  }
0x64: {  	_ =	shalt  }
0x65: {  	_ =	shalt  }
0x66: {  	_ =	shalt  }
0x67: {  	_ =	shalt  }
0x68: {  	_ =	shalt  }
0x69: {  	_ =	shalt  }
0x6a: {  	_ =	shalt  }
0x6b: {  	_ =	shalt  }
0x6c: {  	_ =	shalt  }
0x6d: {  	_ =	shalt  }
0x6e: {  	_ =	shalt  }
0x6f: {  	_ =	shalt  }
0x70: {  	_ =	shalt  }
0x71: {  	_ =	shalt  }
0x72: {  	_ =	shalt  }
0x73: {  	_ =	shalt  }
0x74: {  	_ =	shalt  }
0x75: {  	_ =	shalt  }
0x76: {  	_ =	shalt  }
0x77: {  	_ =	shalt  }
0x78: {  	_ =	shalt  }
0x79: {  	_ =	shalt  }
0x7a: {  	_ =	shalt  }
0x7b: {  	_ =	shalt  }
0x7c: {  	_ =	shalt  }
0x7d: {  	_ =	shalt  }
0x7e: {  	_ =	shalt  }
0x7f: {  	_ =	shalt  }
0x80: {  	_ =	shalt  }
0x81: {  	_ =	shalt  }
0x82: {  	_ =	shalt  }
0x83: {  	_ =	shalt  }
0x84: {  	_ =	shalt  }
0x85: {  	_ =	shalt  }
0x86: {  	_ =	shalt  }
0x87: {  	_ =	shalt  }
.Lfunc_end0:
.L_simem_size_0:
called_computation_lowered:
.L_overlay_start_0:
0x88: {  	s2 =	sld [smem:$0x3FD9]  }
0x89: {  	s3 =	sld [smem:$0x3FFE];
	_ =	sdelay $0x1  }
0x8a: {  	s1 =	srdreg.scid  }
0x8b: {  	s0 =	sand.u32 $0x1, s1  }
0x8c: {  	s16 =	sshll.u32 s0, $0xA;
	s2 =	sadd.s32 s3, s2  }
0x8d: {  	s2 =	sadd.s32 s2, s16  }
0x8e: {  	[smem:$0x3FC6] =	sst s2  }
0x8f: {  	_ = 	snop  }
0x90: {  	(tm) =	ssettm $0x1  }
0x91: {  	s17 =	sld [smem:$0x3FFB];
	_ =	sdelay $0x3  }
0x92: {  	_ =	strace s17  }
0x93: {  	s2 =	sld [smem:$0x3FFC];
	_ =	sdelay $0x3  }
0x94: {  	_ =	strace s2  }
0x95: {  	s2 =	sld [smem:$0x3FFD];
	_ =	sdelay $0x3  }
0x96: {  	_ =	strace s2  }
0x97: {  	_ =	strace $0x8FFFFFFF  }
0x98: {  	s18 =	sld [smem:$0x3FDB];
	_ =	sdelay $0x1  }
0x99: {  	s19 =	simm.s32 $_scs_section_size  }
0x9a: {  	s4 =	simm.s32 $_size__tile_overlayer_lowered;
	s5 =	simm.s32 $_tile_overlayer_lowered  }
0x9b: {  	s22 =	simm.s32 $0x1BFF;
	s21 =	sshll.u32 s5, $0x1;
	s2 =	sadd.s32 s19, s18  }
0x9c: {  	s6 =	simm.s32 $0x0;
	s20 =	sshll.u32 s4, $0x1;
	s4 =	sadd.s32 s21, s2  }
0x9d: {  	[timem:s6], [sflag:s22] =	dma.local [hbm:s4], s20  }
0x9e: {  	_ =	swait.ge [sflag:s22], s20  }
0x9f: {  	s3 =	ssub.s32 $0x0, s20;
	[sflag:s22] =	ssyncset.done $0x0  }
0xa0: {  	[sflag:s22] =	ssyncadd.s32 s3;
	_ =	sdelay $0x1  }
0xa1: {  	s23 =	simm.s32 $0x1B8B  }
0xa2: {  	_ =	swait.ge [sflag:s23], $0x1  }
0xa3: {  	[sflag:s23] =	ssyncset.done $0x0  }
0xa4: {  	s25 =	simm.s32 $0x1B8E;
	s24 =	sld [smem:$0x3FFE];
	[sflag:s23] =	ssyncadd.s32 $0xFFFFFFFF  }
0xa5: {  	s26 =	simm.s32 $execute0_lowered;
	[smem:$0x3FD2] =	sst s25  }
0xa6: {  	s4 =	sshll.u32 s26, $0x1;
	_ =	strace $0x80000046;
	[dreg:$0x1] =	wrdreg $0xFFFFFFFF  }
0xa7: {  	s28 =	simm.s32 $_size_execute0_lowered;
	s2 =	sadd.s32 s2, s4;
	[dreg:$0x0] =	wrdreg $0x0  }
0xa8: {  	s4 =	sshll.u32 s28, $0x1;
	[dreg:$0x2] =	wrdreg s2  }
0xa9: {  	[dreg:$0x3] =	wrdreg s4  }
0xaa: {  	[dreg:$0x4] =	wrdreg $0xC0  }
0xab: {  	_ =	task [dreg:s6], $0x5FFFF  }
0xac: {  	[dreg:$0x1] =	wrdreg $0xFFFFFFFF  }
0xad: {  	[dreg:$0x0] =	wrdreg $0x60  }
0xae: {  	[dreg:$0x2] =	wrdreg s24  }
0xaf: {  	[dreg:$0x3] =	wrdreg $0x9  }
0xb0: {  	_ =	task.clear_ibuf [dreg:s6], $0x4FFFF;
	_ =	strace $0x90000046  }
0xb1: {  	s29 =	simm.s32 $0x9;
	_ =	strace $0x80000048  }
0xb2: {  	_ =	swait.ge [sflag:s29], $0x1  }
0xb3: {  	[sflag:s29] =	ssyncadd.s32 $0xFFFFFFFF  }
0xb4: {  	_ =	strace $0x90000048  }
0xb5: {  	_ =	sfence  }
0xb6: {  	s30 =	sld [smem:$0x0];
	_ =	sdelay $0x2  }
0xb7: {  	s31 =	sshll.u32 s1, $0xD;
	s1 =	sshrl.u32 s1, $0x2  }
0xb8: {  	s3 =	sand.u32 $0x4000, s31;
	s1 =	sadd.s32 s1, s30  }
0xb9: {  	s0 =	sor.u32 s3, s0;
	s1 =	sshll.u32 s1, $0x11  }
0xba: {  	s0 =	sor.u32 s1, s0  }
0xbb: {  	s0 =	sadd.s32 $0x8F2B, s0  }
0xbc: {  	[sflag:s0] =	ssyncadd.remote.s32 $0x1  }
0xbd: {  	_ =	sfence.sel $0xFFFF  }
0xbe: {  	[dreg:$0x0] =	wrdreg $0xFFFFFFFF;
	(pc) =	sbr.abs _section_cstart, $3  }
0xbf: {  	[dreg:$0x1] =	wrdreg $0xFFFFFFFF  }
0xc0: {  	_ =	task.clear_ibuf [dreg:s6], $0x2FFFF;
	_ =	strace $0x9FFFFFFF  }
0xc1: {  	(tm) =	ssettm $0x7FFFFFFF  }
tec
execute0_lowered:
.L_overlay_start_1:
0x0: {  	(tag) =	ssettag $0x1  }
0x1: {  	s3 =	rddreg [dreg:$0x0]  }
0x2: {  	s0 =	rddreg [dreg:$0x1];
	s2 =	simm.s32 $0x0;
	s4 =	srdreg.scid  }
0x3: {  	s1 =	stileid.u32;
	s11 =	simm.s32 $0x10000;
	s12 =	simm.s32 $0x2  }
0x4: {  	s13 =	simm.s32 $0x3;
	s14 =	simm.s32 $0x0;
	[smem:$0x7FF] =	sst s2  }
0x5: {  	v0 =	vimm.s32 $0xFEDCBA98;
	s5 =	sadd.s32 $0x41000, s3;
	s4 =	sand.u32 $0x1, s4;
	s6 =	sshll.u32 s1, $0x1  }
0x6: {  	v1 =	vimm.s32 $0x76543210;
	s7 =	sadd.s32 $0x1000, s3;
	v2 =	vunpack.c.l.s4.s8 v0;
	_ =	strace $0x80000047;
	s6 =	sor.u32 s4, s6  }
0x7: {  	v4 =	vunpack.c.l.s4.s8 v1;
	s4 =	ssub.s32 $0x2, s4;
	s8 =	sshll.u32 s6, $0x4;
	s6 =	sshll.u32 s6, $0xD  }
0x8: {  	vm0 =	vmmov $0xff;
	v0 =	vimm.f32 $0.0e+00;
	s9 =	sshrl.u32 s4, $0x1;
	v5 =	vunpack.c.0.s8.s32 v2;
	s8 =	sadd.s32 s8, s3;
	s10 =	sor.u32 $0x1000, s6  }
0x9: {  	v1 =	vlaneseq.u32;
	vm1 =	vmneg vm0;
	v6 =	vunpack.c.0.s8.s32 v4;
	s9 =	ssub.s32 s4, s9;
	s3 =	sadd.s32 s5, s6;
	s4 =	sadd.s32 s5, s10  }
0xa: {  	v3 =	vor.u32 $0x20, v1;
	v2 =	vor.u32 $0x10, v1;
	s5 =	sadd.s32 s7, s6;
	s6 =	sadd.s32 s7, s10;
	s7 =	sadd.s32 $0x81000, s8;
	v5 =	vand.u32 $0xF, v5  }
0xb: {  	v4 =	vor.u32 $0x30, v1;
	s8 =	smax.u32 s9, $0x1;
	s9 =	simm.s32 $0x8000;
	s10 =	simm.s32 $0x1;
	v5 =	vcombine.low v5, v6;
	v6 =	vimm.f32 $1.000000000e+00  }
.LBB2_1:
0xc: {  	[tilespmem:$0x10000] =	vst v0  }
0xd: {  	[tilespmem:$0x10010] =	vst v0  }
0xe: {  	[tilespmem:$0x10020] =	vst v0  }
0xf: {  	[tilespmem:$0x10030] =	vst v0  }
0x10: {  	[tilespmem:$0x10040] =	vst v0  }
0x11: {  	[tilespmem:$0x10050] =	vst v0  }
0x12: {  	[tilespmem:$0x10060] =	vst v0  }
0x13: {  	[tilespmem:$0x10070] =	vst v0  }
0x14: {  	[tilespmem:s2], [sflag:$0x1] =	stream.linear.gather [hbm4b:s3+s2], $0x8000, $0x38;
	[tilespmem:$0x10080] =	vst v63  }
0x15: {  	_ = 	snop  }
0x16: {  	[tilespmem:s9], [sflag:$0x2] =	stream.linear.gather [hbm4b:s4+s2], $0x8000, $0x38;
	[tilespmem:$0x10080] =	vst v63  }
0x17: {  	_ =	swait.ge [sflag:s10], $0x8000  }
0x18: {  	[sflag:s10] =	ssyncset.done $0x0  }
0x19: {  	s16 =	simm.s32 $0x100;
	[sflag:s10] =	ssyncadd.s32 $0xFFFF8000  }
0x1a: {  	v7 =	vld [tilespmem:s16+$0xFFFFFF00]  }
0x1b: {  	v8 =	vld [tilespmem:s16+$0x80]  }
0x1c: {  	v9 =	vld [tilespmem:s16+$0x30]  }
0x1d: {  	v10 =	vld [tilespmem:s16+$0xFFFFFF80]  }
0x1e: {  	v11 =	vld [tilespmem:s16+$0xB0]  }
0x1f: {  	v12 =	vld [tilespmem:s16+$0xFFFFFF30];
	(xrf1) =	vsort.dscd.msk.f32 $0xffff, v7, v1  }
0x20: {  	v7 =	vld [tilespmem:s16+$0x20];
	(xrf1) =	vsort.dscd.msk.f32 $0xffff, v8, v1  }
0x21: {  	v8 =	vld [tilespmem:s16+$0x10];
	(xrf1) =	vsort.ascd.msk.f32 $0xffff, v9, v4  }
0x22: {  	v9 =	vld [tilespmem:s16+$0xFFFFFFA0];
	(xrf1) =	vsort.dscd.msk.f32 $0xffff, v10, v1  }
0x23: {  	v10 =	vld [tilespmem:s16+$0xFFFFFFB0];
	(xrf1) =	vsort.ascd.msk.f32 $0xffff, v11, v4  }
0x24: {  	v11 =	vld [tilespmem:s16+$0xFFFFFF20];
	(xrf1) =	vsort.ascd.msk.f32 $0xffff, v12, v4  }
0x25: {  	(xrf1) =	vsort.dscd.msk.f32 $0xffff, v7, v3;
	v7 =	vld [tilespmem:s16+$0xFFFFFF90]  }
0x26: {  	(xrf1) =	vsort.ascd.msk.f32 $0xffff, v8, v2  }
0x27: {  	(xrf1) =	vsort.dscd.msk.f32 $0xffff, v9, v3  }
0x28: {  	(xrf1) =	vsort.ascd.msk.f32 $0xffff, v10, v4  }
0x29: {  	(xrf1) =	vsort.dscd.msk.f32 $0xffff, v11, v3  }
0x2a: {  	(xrf1) =	vsort.ascd.msk.f32 $0xffff, v7, v2;
	v7 =	vld [tilespmem:s16+$0x0]  }
0x2b: {  	v8 =	vld [tilespmem:s16+$0x90]  }
0x2c: {  	s15 =	simm.s32 $0x300;
	v9 =	vld [tilespmem:s16+$0xA0]  }
0x2d: {  	v14 =	vld [tilespmem:s15+$0xFFFFFF00];
	v10, v11, _ =	vpop (xrf1)  }
0x2e: {  	v17 =	vld [tilespmem:s15+$0x80];
	v12, v13, _ =	vpop (xrf1)  }
0x2f: {  	v18 =	vld [tilespmem:s16+$0xFFFFFF10];
	v15, v16, _ =	vpop (xrf1);
	(xrf1) =	vsort.dscd.msk.f32 $0xffff, v7, v1  }
0x30: {  	v22 =	vld [tilespmem:s15+$0x30];
	v19, v20, _ =	vpop (xrf1);
	(xrf1) =	vsort.ascd.msk.f32 $0xffff, v8, v2  }
0x31: {  	v8 =	vld [tilespmem:s15+$0xFFFFFF80];
	v7, v21, _ =	vpop (xrf1);
	(xrf1) =	vsort.dscd.msk.f32 $0xffff, v9, v3  }
0x32: {  	v23, v24, _ =	vpop (xrf1);
	(xrf1) =	vsort.dscd.msk.f32 $0xffff, v14, v1;
	v14 =	vld [tilespmem:s15+$0xB0]  }
0x33: {  	v26 =	vld [tilespmem:s15+$0xFFFFFF30];
	v9, v25, _ =	vpop (xrf1);
	(xrf1) =	vsort.dscd.msk.f32 $0xffff, v17, v1  }
0x34: {  	v28 =	vld [tilespmem:s15+$0x20];
	v17, v27, _ =	vpop (xrf1);
	(xrf1) =	vsort.ascd.msk.f32 $0xffff, v18, v2  }
0x35: {  	v29, v30, _ =	vpop (xrf1);
	(xrf1) =	vsort.ascd.msk.f32 $0xffff, v22, v4  }
0x36: {  	v18, v31, _ =	vpop (xrf1);
	(xrf1) =	vsort.dscd.msk.f32 $0xffff, v8, v1  }
0x37: {  	v22, v32, _ =	vpop (xrf1);
	(xrf1) =	vsort.ascd.msk.f32 $0xffff, v14, v4;
	vm3 =	vge.f32 v29, v18  }
0x38: {  	v14 =	vld [tilespmem:s15+$0x10];
	v18 =	vmax.f32 v29, v18;
	vm2 =	vge.f32 v22, v23;
	v8, v33, _ =	vpop (xrf1);
	(xrf1) =	vsort.ascd.msk.f32 $0xffff, v26, v4  }
0x39: {  	v26 =	vsel vm3, v30, v31;
	vm4 =	vge.f32 v19, v8;
	(xrf1) =	vsort.dscd.msk.f32 $0xffff, v28, v3  }
0x3a: {  	v28 =	vld [tilespmem:s15+$0xFFFFFFA0];
	v8 =	vmax.f32 v19, v8;
	v20 =	vsel vm4, v20, v33;
	(xrf1) =	vsort.ascd.msk.f32 $0xffff, v18, v26  }
0x3b: {  	v19 =	vmax.f32 v22, v23;
	v22 =	vsel vm2, v32, v24;
	v18 =	vld [tilespmem:s15+$0xFFFFFFB0];
	(xrf1) =	vsort.dscd.msk.f32 $0xffff, v8, v20  }
0x3c: {  	v20 =	vld [tilespmem:s15+$0xFFFFFF20];
	(xrf1) =	vsort.ascd.msk.f32 $0xffff, v19, v22  }
0x3d: {  	v22 =	vld [tilespmem:s15+$0xFFFFFF90];
	v23, v24, _ =	vpop (xrf1);
	(xrf1) =	vsort.ascd.msk.f32 $0xffff, v14, v2  }
0x3e: {  	vm2 =	vge.f32 v9, v15;
	v14, v26, _ =	vpop (xrf1)  }
0x3f: {  	v16 =	vsel vm2, v25, v16;
	(xrf1) =	vsort.dscd.msk.f32 $0xffff, v28, v3;
	vm2 =	vge.f32 v23, v17;
	v28, v29, _ =	vpop (xrf1)  }
0x40: {  	v15 =	vmax.f32 v9, v15;
	(xrf1) =	vsort.ascd.msk.f32 $0xffff, v18, v4;
	v24 =	vsel vm2, v24, v27;
	v19, v8, _ =	vpop (xrf1)  }
0x41: {  	v17 =	vmax.f32 v23, v17;
	v18 =	vld [tilespmem:s15+$0x0];
	(xrf1) =	vsort.dscd.msk.f32 $0xffff, v20, v3;
	v9, v25, _ =	vpop (xrf1)  }
0x42: {  	v20 =	vld [tilespmem:s15+$0x90];
	(xrf1) =	vsort.ascd.msk.f32 $0xffff, v22, v2;
	v23, v27, _ =	vpop (xrf1)  }
0x43: {  	s31 =	simm.s32 $0x500;
	vm3 =	vge.f32 v12, v14;
	v22 =	vld [tilespmem:s15+$0xA0];
	(xrf1) =	vsort.ascd.msk.f32 $0xffff, v15, v16;
	v15, v16, _ =	vpop (xrf1)  }
0x44: {  	v12 =	vmax.f32 v12, v14;
	v14 =	vld [tilespmem:s31+$0xFFFFFF00];
	v13 =	vsel vm3, v13, v26;
	(xrf1) =	vsort.dscd.msk.f32 $0xffff, v17, v24;
	v17, v24, _ =	vpop (xrf1)  }
0x45: {  	v26 =	vld [tilespmem:s31+$0x80];
	(xrf1) =	vsort.dscd.msk.f32 $0xffff, v12, v13;
	v31, v56, _ =	vpop (xrf1)  }
0x46: {  	(xrf1) =	vsort.dscd.msk.f32 $0xffff, v18, v1;
	v18, v30, _ =	vpop (xrf1)  }
0x47: {  	(xrf1) =	vsort.ascd.msk.f32 $0xffff, v20, v2;
	v20, v57, _ =	vpop (xrf1)  }
0x48: {  	vm2 =	vge.f32 v28, v7;
	(xrf1) =	vsort.dscd.msk.f32 $0xffff, v22, v3;
	v22 =	vld [tilespmem:s15+$0xFFFFFF10];
	v34, v35, _ =	vpop (xrf1)  }
0x49: {  	v21 =	vsel vm2, v29, v21;
	v29 =	vld [tilespmem:s31+$0x30];
	vm2 =	vge.f32 v10, v23;
	(xrf1) =	vsort.dscd.msk.f32 $0xffff, v14, v1;
	v14, v36, _ =	vpop (xrf1)  }
0x4a: {  	v10 =	vmax.f32 v10, v23;
	v23 =	vld [tilespmem:s31+$0xFFFFFF80];
	v11 =	vsel vm2, v11, v27;
	(xrf1) =	vsort.dscd.msk.f32 $0xffff, v26, v1;
	v13, v12, _ =	vpop (xrf1)  }
0x4b: {  	v7 =	vmax.f32 v28, v7;
	v27 =	vld [tilespmem:s31+$0xB0];
	v26 =	vmax.f32 v14, v34;
	v38, v28, _ =	vpop (xrf1);
	(xrf1) =	vsort.dscd.msk.f32 $0xffff, v10, v11  }
0x4c: {  	v39 =	vmax.f32 v20, v15;
	v10 =	vld [tilespmem:s31+$0xFFFFFF30];
	v11 =	vperm.xlane v26, v5;
	(xrf1) =	vsort.ascd.msk.f32 $0xffff, v7, v21  }
0x4d: {  	vm3 =	vge.f32 v20, v15;
	vm2 =	vge.f32 v14, v34;
	v14, v34, _ =	vpop (xrf1);
	v21 =	vld [tilespmem:s31+$0x20];
	(xrf1) =	vsort.ascd.msk.f32 $0xffff, v22, v2  }
0x4e: {  	v40 =	vsel vm3, v57, v16;
	v7 =	vsel vm2, v36, v35;
	v22, v58, _ =	vpop (xrf1);
	(xrf1) =	vsort.ascd.msk.f32 $0xffff, v29, v4  }
0x4f: {  	vm2 =	vgt.f32 v26, v11;
	vm3 =	vge.f32 v26, v11;
	v15, v29, _ =	vpop (xrf1);
	(xrf1) =	vsort.dscd.msk.f32 $0xffff, v23, v1  }
0x50: {  	vm5 =	vge.f32 v14, v22;
	v22 =	vmax.f32 v14, v22;
	v11, v16, _ =	vpop (xrf1);
	(xrf1) =	vsort.ascd.msk.f32 $0xffff, v27, v4  }
0x51: {  	v23, v27, _ =	vpop (xrf1);
	vm6 =	vge.f32 v17, v11;
	v11 =	vmax.f32 v17, v11;
	(xrf1) =	vsort.ascd.msk.f32 $0xffff, v10, v4  }
0x52: {  	v60 =	vld [tilespmem:s31+$0x10];
	v26 =	vsel vm5, v34, v58;
	v10, v59, _ =	vpop (xrf1);
	v16 =	vsel vm6, v24, v16;
	(xrf1) =	vsort.dscd.msk.f32 $0xffff, v21, v3  }
0x53: {  	vm4 =	vge.f32 v15, v18;
	v15 =	vmax.f32 v15, v18;
	v20, v14, _ =	vpop (xrf1);
	v21 =	vld [tilespmem:s31+$0xFFFFFFA0];
	(xrf1) =	vsort.ascd.msk.f32 $0xffff, v22, v26  }
0x54: {  	vm3 =	vmand vm3, vm0;
	v17 =	vsel vm4, v29, v30;
	v29 =	vmax.f32 v10, v23;
	v24, v61, _ =	vpop (xrf1);
	v22 =	vld [tilespmem:s31+$0xFFFFFFB0];
	(xrf1) =	vsort.dscd.msk.f32 $0xffff, v11, v16  }
0x55: {  	v62 =	vld [tilespmem:s31+$0xFFFFFF20];
	vm2 =	vmand vm1, vm2;
	vm7 =	vge.f32 v10, v23;
	v41 =	vperm.xlane v29, v5;
	v26, v11, _ =	vpop (xrf1);
	(xrf1) =	vsort.ascd.msk.f32 $0xffff, v15, v17  }
0x56: {  	v42 =	vld [tilespmem:s31+$0xFFFFFF90];
	vm4 =	vge.f32 v24, v38;
	v38 =	vmax.f32 v24, v38;
	v37, v16, _ =	vpop (xrf1);
	vm5 =	vge.f32 v9, v26  }
0x57: {  	vm2 =	vmor vm3, vm2;
	vm3 =	vgt.f32 v29, v41;
	vm6 =	vge.f32 v37, v31;
	v17, v15, _ =	vpop (xrf1);
	(xrf1) =	vsort.ascd.msk.f32 $0xffff, v60, v2  }
0x58: {  	v30 =	vsel vm5, v25, v11;
	v11 =	vsel vm7, v59, v27;
	(xrf1) =	vsort.dscd.msk.f32 $0xffff, v21, v3;
	v18, v10, _ =	vpop (xrf1)  }
0x59: {  	v33 =	vld [tilespmem:s31+$0x0];
	vm5 =	vge.f32 v29, v41;
	(xrf1) =	vsort.ascd.msk.f32 $0xffff, v22, v4;
	v22 =	vmax.f32 v37, v31;
	v31, v29, _ =	vpop (xrf1)  }
0x5a: {  	v34 =	vld [tilespmem:s31+$0x90];
	vm3 =	vmand vm1, vm3;
	v21 =	vsel vm6, v16, v56;
	v37 =	vsel vm4, v61, v28;
	(xrf1) =	vsort.dscd.msk.f32 $0xffff, v62, v3;
	v36, v23, _ =	vpop (xrf1)  }
0x5b: {  	v27 =	vld [tilespmem:s31+$0xFFFFFF10];
	vm6 =	vmand vm5, vm0;
	v28 =	vmax.f32 v31, v13;
	(xrf1) =	vsort.ascd.msk.f32 $0xffff, v42, v2;
	v63, v35, _ =	vpop (xrf1);
	vm4 =	vge.f32 v20, v36  }
0x5c: {  	s16 =	simm.s32 $0x700;
	s15 =	simm.s32 $0x8;
	v16 =	vld [tilespmem:s31+$0xA0];
	vm3 =	vmor vm6, vm3;
	v24, v25, _ =	vpop (xrf1);
	vm5 =	vge.f32 v19, v63;
	v32 =	vmax.f32 v19, v63;
	(xrf1) =	vsort.ascd.msk.f32 $0xffff, v39, v40  }
.LBB2_2:
0x5d: {  	v39 =	vld [tilespmem:s16+$0xFFFFFF00];
	s15 =	sadd.s32 $0x4, s15;
	v40, v41, _ =	vpop (xrf1);
	v43 =	vmax.f32 v9, v26;
	(xrf1) =	vsort.dscd.msk.f32 $0xffff, v38, v37;
	v20 =	vmax.f32 v20, v36;
	v19 =	vmov v17  }
0x5e: {  	vm6 =	vge.f32 v31, v13;
	v13 =	vperm.xlane v28, v5;
	v9 =	vmov v18;
	v17 =	vld [tilespmem:s16+$0x80];
	p0 =	slt.u32 s15, $0xFC;
	v36, v37, _ =	vpop (xrf1);
	(xrf1) =	vsort.dscd.msk.f32 $0xffff, v43, v30  }
0x5f: {  	v29 =	vsel vm6, v29, v12;
	v31 =	vperm.xlane v20, v5;
	v18 =	vld [tilespmem:s16+$0xFFFFFF80];
	v26, v30, _ =	vpop (xrf1);
	(xrf1) =	vsort.dscd.msk.f32 $0xffff, v33, v1  }
0x60: {  	v33 =	vld [tilespmem:s16+$0x30];
	v38, v42, _ =	vpop (xrf1);
	(xrf1) =	vsort.ascd.msk.f32 $0xffff, v34, v2;
	v34 =	vsel vm5, v8, v35;
	vm5 =	vge.f32 v28, v13;
	v8 =	vmov v15  }
0x61: {  	vm6 =	vgt.f32 v28, v13;
	(xrf1) =	vsort.dscd.msk.f32 $0xffff, v16, v3;
	v12, v15, _ =	vpop (xrf1);
	vm5 =	vmand vm5, vm0;
	[tilespmem:v7+s11+$0x0] =	vst.idx.add.f32.msk vm2, v6  }
0x62: {  	vm2 =	vmand vm1, vm6;
	vm6 =	vge.f32 v20, v31;
	v28 =	vld [tilespmem:s16+$0xFFFFFF30];
	(xrf1) =	vsort.dscd.msk.f32 $0xffff, v39, v1;
	v39 =	vmax.f32 v38, v24;
	v7, v16, _ =	vpop (xrf1)  }
0x63: {  	vm5 =	vmor vm5, vm2;
	vm7 =	vge.f32 v7, v12;
	v35 =	vmax.f32 v7, v12;
	v13, v12, _ =	vpop (xrf1);
	[tilespmem:v11+s11+$0x0] =	vst.idx.add.f32.msk vm3, v6  }
0x64: {  	vm2 =	vgt.f32 v20, v31;
	vm3 =	vmand vm6, vm0;
	v11 =	vld [tilespmem:s16+$0xB0];
	(xrf1) =	vsort.dscd.msk.f32 $0xffff, v17, v1;
	v17 =	vperm.xlane v35, v5  }
0x65: {  	v7 =	vsel vm7, v16, v15;
	v15 =	vsel vm4, v14, v23;
	vm4 =	vmand vm1, vm2;
	v20 =	vld [tilespmem:s16+$0x20];
	v43, v44, _ =	vpop (xrf1);
	(xrf1) =	vsort.dscd.msk.f32 $0xffff, v32, v34  }
0x66: {  	vm6 =	vge.f32 v38, v24;
	vm4 =	vmor vm3, vm4;
	v16 =	vld [tilespmem:s16+$0xA0];
	v14, v23, _ =	vpop (xrf1);
	vm2 =	vgt.f32 v35, v17;
	(xrf1) =	vsort.ascd.msk.f32 $0xffff, v22, v21  }
0x67: {  	v42 =	vsel vm6, v42, v25;
	vm3 =	vge.f32 v35, v17;
	(xrf1) =	vsort.ascd.msk.f32 $0xffff, v27, v2;
	v21, v22, _ =	vpop (xrf1)  }
0x68: {  	vm3 =	vmand vm3, vm0;
	(xrf1) =	vsort.ascd.msk.f32 $0xffff, v33, v4;
	v17, v24, _ =	vpop (xrf1);
	vm7 =	vge.f32 v14, v21  }
0x69: {  	v21 =	vmax.f32 v14, v21;
	(xrf1) =	vsort.dscd.msk.f32 $0xffff, v18, v1;
	vm6 =	vge.f32 v17, v26;
	v18, v25, _ =	vpop (xrf1)  }
0x6a: {  	v27 =	vld [tilespmem:s16+$0x10];
	(xrf1) =	vsort.ascd.msk.f32 $0xffff, v11, v4;
	vm8 =	vge.f32 v40, v18;
	v11 =	vsel vm7, v23, v22;
	v22, v23, _ =	vpop (xrf1)  }
0x6b: {  	(xrf1) =	vsort.ascd.msk.f32 $0xffff, v28, v4;
	v28, v31, _ =	vpop (xrf1);
	[tilespmem:v29+s11+$0x0] =	vst.idx.add.f32.msk vm5, v6;
	v25 =	vsel vm8, v41, v25  }
0x6c: {  	(xrf1) =	vsort.dscd.msk.f32 $0xffff, v20, v3;
	v20, v14, _ =	vpop (xrf1);
	[tilespmem:v15+s11+$0x0] =	vst.idx.add.f32.msk vm4, v6;
	v15 =	vmax.f32 v17, v26  }
0x6d: {  	v17 =	vmax.f32 v40, v18;
	v29 =	vld [tilespmem:s16+$0xFFFFFFA0];
	(xrf1) =	vsort.ascd.msk.f32 $0xffff, v21, v11;
	v32, v34, _ =	vpop (xrf1)  }
0x6e: {  	v11 =	vsel vm6, v24, v30;
	v24 =	vmax.f32 v28, v22;
	v33 =	vld [tilespmem:s16+$0xFFFFFFB0];
	(xrf1) =	vsort.dscd.msk.f32 $0xffff, v17, v25;
	v26, v18, _ =	vpop (xrf1)  }
0x6f: {  	vm4 =	vge.f32 v32, v43;
	v38 =	vperm.xlane v24, v5;
	v25 =	vld [tilespmem:s16+$0xFFFFFF20];
	(xrf1) =	vsort.ascd.msk.f32 $0xffff, v15, v11;
	v35, v21, _ =	vpop (xrf1)  }
0x70: {  	vm7 =	vge.f32 v28, v22;
	vm5 =	vge.f32 v9, v26;
	v40 =	vld [tilespmem:s16+$0xFFFFFF90];
	v17, v15, _ =	vpop (xrf1);
	vm6 =	vge.f32 v35, v36  }
0x71: {  	v11 =	vsel vm7, v31, v23;
	v30 =	vsel vm5, v10, v18;
	(xrf1) =	vsort.ascd.msk.f32 $0xffff, v27, v2  }
.Ltmp0:
0x72: {  	vm2 =	vmand vm1, vm2;
	vm5 =	vge.f32 v24, v38;
	v21 =	vsel vm6, v21, v37;
	(xrf1) =	vsort.dscd.msk.f32 $0xffff, v29, v3;
	v18, v10, _ =	vpop (xrf1);
	(pc) =	sbr.rel @p0 .LBB2_2-.Ltmp0, $4  }
0x73: {  	vm2 =	vmor vm3, vm2;
	v22 =	vmax.f32 v35, v36;
	vm3 =	vgt.f32 v24, v38;
	(xrf1) =	vsort.ascd.msk.f32 $0xffff, v33, v4;
	v31, v29, _ =	vpop (xrf1)  }
0x74: {  	v37 =	vsel vm4, v34, v44;
	vm3 =	vmand vm1, vm3;
	v33 =	vld [tilespmem:s16+$0x0];
	(xrf1) =	vsort.dscd.msk.f32 $0xffff, v25, v3;
	v28 =	vmax.f32 v31, v13;
	v36, v23, _ =	vpop (xrf1)  }
0x75: {  	v38 =	vmax.f32 v32, v43;
	vm6 =	vmand vm5, vm0;
	v34 =	vld [tilespmem:s16+$0x90];
	(xrf1) =	vsort.ascd.msk.f32 $0xffff, v40, v2;
	v32, v35, _ =	vpop (xrf1);
	vm4 =	vge.f32 v20, v36  }
0x76: {  	vm3 =	vmor vm6, vm3;
	v27 =	vld [tilespmem:s16+$0xFFFFFF10];
	s16 =	sadd.s32 $0x200, s16;
	v24, v25, _ =	vpop (xrf1);
	vm5 =	vge.f32 v19, v32;
	v32 =	vmax.f32 v19, v32;
	(xrf1) =	vsort.ascd.msk.f32 $0xffff, v39, v42  }
0x77: {  	v9 =	vmax.f32 v9, v26  }
0x78: {  	(xrf1) =	vsort.dscd.msk.f32 $0xffff, v38, v37  }
0x79: {  	v19, v26, _ =	vpop (xrf1);
	(xrf1) =	vsort.dscd.msk.f32 $0xffff, v9, v30  }
0x7a: {  	v9, v30, _ =	vpop (xrf1);
	(xrf1) =	vsort.dscd.msk.f32 $0xffff, v33, v1  }
0x7b: {  	v8 =	vsel vm5, v8, v35;
	v53, v52, _ =	vpop (xrf1);
	(xrf1) =	vsort.ascd.msk.f32 $0xffff, v34, v2  }
0x7c: {  	v55, v54, _ =	vpop (xrf1);
	(xrf1) =	vsort.dscd.msk.f32 $0xffff, v16, v3  }
0x7d: {  	v16, v56, _ =	vpop (xrf1);
	(xrf1) =	vsort.dscd.msk.f32 $0xffff, v32, v8  }
0x7e: {  	v20 =	vmax.f32 v20, v36;
	v8, v32, _ =	vpop (xrf1);
	(xrf1) =	vsort.ascd.msk.f32 $0xffff, v22, v21  }
0x7f: {  	vm5 =	vge.f32 v31, v13;
	v13 =	vperm.xlane v28, v5;
	v21, v22, _ =	vpop (xrf1);
	(xrf1) =	vsort.ascd.msk.f32 $0xffff, v27, v2  }
0x80: {  	v12 =	vsel vm5, v29, v12;
	v29 =	vperm.xlane v20, v5;
	v27, v39, _ =	vpop (xrf1)  }
0x81: {  	v14 =	vsel vm4, v14, v23;
	v31, v57, _ =	vpop (xrf1)  }
0x82: {  	vm9 =	vge.f32 v28, v13;
	vm7 =	vgt.f32 v28, v13;
	vm6 =	vge.f32 v20, v29;
	v40, v41, _ =	vpop (xrf1)  }
0x83: {  	vm5 =	vgt.f32 v20, v29;
	vm4 =	vge.f32 v55, v24;
	v13, v28, _ =	vpop (xrf1);
	vm15 =	vge.f32 v31, v40  }
0x84: {  	v25 =	vsel vm4, v54, v25;
	vm8 =	vge.f32 v8, v16;
	v29, v58, _ =	vpop (xrf1);
	v36 =	vsel vm15, v57, v41  }
0x85: {  	v8 =	vmax.f32 v8, v16;
	v16 =	vmax.f32 v31, v40;
	v23, v59, _ =	vpop (xrf1);
	vm4 =	vge.f32 v19, v29  }
0x86: {  	v60, v61, _ =	vpop (xrf1);
	v26 =	vsel vm4, v26, v58  }
0x87: {  	v19 =	vmax.f32 v19, v29;
	vm4 =	vge.f32 v13, v53;
	v13 =	vmax.f32 v13, v53;
	v31, v62, _ =	vpop (xrf1)  }
0x88: {  	v63 =	vperm.xlane v8, v5;
	(xrf1) =	vsort.ascd.msk.f32 $0xffff, v16, v36;
	v16, v36, _ =	vpop (xrf1)  }
0x89: {  	v24 =	vmax.f32 v55, v24;
	v20 =	vsel vm8, v32, v56;
	v29, v43, _ =	vpop (xrf1)  }
0x8a: {  	vm7 =	vmand vm1, vm7;
	vm12 =	vgt.f32 v8, v63;
	v28 =	vsel vm4, v28, v52;
	(xrf1) =	vsort.dscd.msk.f32 $0xffff, v19, v26;
	v19, v26, _ =	vpop (xrf1)  }
0x8b: {  	vm6 =	vmand vm6, vm0;
	vm13 =	vge.f32 v8, v63;
	(xrf1) =	vsort.ascd.msk.f32 $0xffff, v13, v28;
	vm10 =	vge.f32 v16, v27;
	v8, v13, _ =	vpop (xrf1)  }
0x8c: {  	vm4 =	vmand vm9, vm0;
	v16 =	vmax.f32 v16, v27;
	(xrf1) =	vsort.ascd.msk.f32 $0xffff, v24, v25;
	v28 =	vsel vm10, v36, v39;
	v44, v45, _ =	vpop (xrf1)  }
0x8d: {  	vm14 =	vge.f32 v60, v23;
	vm4 =	vmor vm4, vm7;
	vm7 =	vge.f32 v18, v29;
	(xrf1) =	vsort.dscd.msk.f32 $0xffff, v16, v28;
	v25, v27, _ =	vpop (xrf1)  }
0x8e: {  	v10 =	vsel vm7, v10, v43;
	v16 =	vmax.f32 v18, v29;
	vm7 =	vge.f32 v17, v25  }
0x8f: {  	vm5 =	vmand vm1, vm5;
	(xrf1) =	vsort.dscd.msk.f32 $0xffff, v16, v10;
	v17 =	vmax.f32 v17, v25;
	v10 =	vsel vm7, v15, v27  }
0x90: {  	vm5 =	vmor vm6, vm5;
	v24 =	vmax.f32 v60, v23;
	vm7 =	vge.f32 v19, v9;
	(xrf1) =	vsort.dscd.msk.f32 $0xffff, v17, v10  }
0x91: {  	v16 =	vsel vm14, v61, v59;
	v9 =	vmax.f32 v19, v9;
	v10 =	vsel vm7, v26, v30  }
0x92: {  	vm6 =	vmand vm13, vm0;
	vm9 =	vge.f32 v31, v44;
	v15 =	vperm.xlane v24, v5;
	(xrf1) =	vsort.ascd.msk.f32 $0xffff, v9, v10  }
0x93: {  	vm13 =	vge.f32 v8, v21;
	v23 =	vsel vm9, v62, v45;
	v9 =	vmax.f32 v8, v21  }
0x94: {  	vm7 =	vmand vm1, vm12;
	vm15 =	vge.f32 v24, v15;
	v10 =	vperm.xlane v9, v5  }
0x95: {  	vm12 =	vgt.f32 v24, v15;
	vm6 =	vmor vm6, vm7;
	v15 =	vmax.f32 v31, v44  }
0x96: {  	vm7 =	vmand vm1, vm12;
	vm8 =	vmand vm15, vm0;
	v8 =	vperm.xlane v15, v5  }
0x97: {  	vm7 =	vmor vm8, vm7;
	v17, v18, _ =	vpop (xrf1);
	vm14 =	vge.f32 v9, v10;
	vm11 =	vgt.f32 v9, v10  }
0x98: {  	v9 =	vsel vm13, v13, v22;
	vm15 =	vgt.f32 v15, v8;
	vm8 =	vmand vm14, vm0;
	v10, v13, _ =	vpop (xrf1)  }
0x99: {  	vm10 =	vmand vm1, vm11;
	vm12 =	vge.f32 v10, v17;
	v10 =	vmax.f32 v10, v17;
	v17, v19, _ =	vpop (xrf1)  }
0x9a: {  	vm11 =	vge.f32 v15, v8;
	vm8 =	vmor vm8, vm10;
	v21 =	vperm.xlane v10, v5;
	v8, v15, _ =	vpop (xrf1)  }
0x9b: {  	vm11 =	vmand vm11, vm0;
	vm10 =	vmand vm1, vm15;
	v13 =	vsel vm12, v13, v18;
	v18, v22, _ =	vpop (xrf1)  }
0x9c: {  	vm9 =	vmor vm11, vm10;
	v24 =	vmax.f32 v18, v8;
	vm10 =	vge.f32 v10, v21  }
0x9d: {  	v25, v26, _ =	vpop (xrf1);
	vm11 =	vge.f32 v18, v8;
	vm12 =	vgt.f32 v10, v21;
	v27 =	vperm.xlane v24, v5  }
0x9e: {  	vm10 =	vmand vm10, vm0;
	v8 =	vsel vm11, v22, v15;
	vm11 =	vmand vm1, vm12;
	v10, v15, _ =	vpop (xrf1)  }
0x9f: {  	[tilespmem:v7+s11+$0x0] =	vst.idx.add.f32.msk vm2, v6;
	vm2 =	vmor vm10, vm11;
	v18 =	vmax.f32 v10, v17  }
0xa0: {  	vm12 =	vge.f32 v24, v27;
	vm13 =	vgt.f32 v24, v27;
	v7, v21, _ =	vpop (xrf1);
	v22 =	vperm.xlane v18, v5  }
0xa1: {  	[tilespmem:v11+s11+$0x0] =	vst.idx.add.f32.msk vm3, v6;
	vm3 =	vmand vm1, vm13;
	vm10 =	vmand vm12, vm0;
	v11 =	vmax.f32 v25, v7  }
0xa2: {  	[tilespmem:v12+s11+$0x0] =	vst.idx.add.f32.msk vm4, v6;
	vm3 =	vmor vm10, vm3;
	v24 =	vperm.xlane v11, v5;
	vm11 =	vge.f32 v18, v22  }
0xa3: {  	[tilespmem:v20+s11+$0x0] =	vst.idx.add.f32.msk vm6, v6;
	vm6 =	vge.f32 v10, v17;
	vm12 =	vgt.f32 v18, v22;
	vm4 =	vmand vm11, vm0  }
0xa4: {  	[tilespmem:v14+s11+$0x0] =	vst.idx.add.f32.msk vm5, v6;
	vm14 =	vmand vm1, vm12;
	vm5 =	vge.f32 v11, v24;
	vm15 =	vgt.f32 v11, v24  }
0xa5: {  	vm4 =	vmor vm4, vm14;
	vm5 =	vmand vm5, vm0;
	vm10 =	vmand vm1, vm15  }
0xa6: {  	[tilespmem:v16+s11+$0x0] =	vst.idx.add.f32.msk vm7, v6;
	v10 =	vsel vm6, v15, v19;
	vm6 =	vge.f32 v25, v7;
	vm5 =	vmor vm5, vm10  }
0xa7: {  	[tilespmem:v9+s11+$0x0] =	vst.idx.add.f32.msk vm8, v6;
	v7 =	vsel vm6, v26, v21  }
0xa8: {  	[tilespmem:v23+s11+$0x0] =	vst.idx.add.f32.msk vm9, v6  }
0xa9: {  	[tilespmem:v13+s11+$0x0] =	vst.idx.add.f32.msk vm2, v6  }
0xaa: {  	[tilespmem:v8+s11+$0x0] =	vst.idx.add.f32.msk vm3, v6  }
0xab: {  	[tilespmem:v10+s11+$0x0] =	vst.idx.add.f32.msk vm4, v6  }
0xac: {  	[tilespmem:v7+s11+$0x0] =	vst.idx.add.f32.msk vm5, v6  }
0xad: {  	[tilespmem:s2], [sflag:$0x1] =	stream.linear.gather [hbm4b:s5+s2], $0x8000, $0x38;
	[tilespmem:$0x10080] =	vst v63  }
0xae: {  	_ =	swait.ge [sflag:s12], $0x8000  }
0xaf: {  	[sflag:s12] =	ssyncset.done $0x0  }
0xb0: {  	s16 =	simm.s32 $0x8100;
	[sflag:s12] =	ssyncadd.s32 $0xFFFF8000  }
0xb1: {  	v7 =	vld [tilespmem:s16+$0xFFFFFF00]  }
0xb2: {  	v8 =	vld [tilespmem:s16+$0x80]  }
0xb3: {  	v9 =	vld [tilespmem:s16+$0x30]  }
0xb4: {  	v10 =	vld [tilespmem:s16+$0xFFFFFF80]  }
0xb5: {  	v11 =	vld [tilespmem:s16+$0xB0]  }
0xb6: {  	v12 =	vld [tilespmem:s16+$0xFFFFFF30];
	(xrf1) =	vsort.dscd.msk.f32 $0xffff, v7, v1  }
0xb7: {  	v7 =	vld [tilespmem:s16+$0x20];
	(xrf1) =	vsort.dscd.msk.f32 $0xffff, v8, v1  }
0xb8: {  	v8 =	vld [tilespmem:s16+$0x10];
	(xrf1) =	vsort.ascd.msk.f32 $0xffff, v9, v4  }
0xb9: {  	v9 =	vld [tilespmem:s16+$0xFFFFFFA0];
	(xrf1) =	vsort.dscd.msk.f32 $0xffff, v10, v1  }
0xba: {  	v10 =	vld [tilespmem:s16+$0xFFFFFFB0];
	(xrf1) =	vsort.ascd.msk.f32 $0xffff, v11, v4  }
0xbb: {  	v11 =	vld [tilespmem:s16+$0xFFFFFF20];
	(xrf1) =	vsort.ascd.msk.f32 $0xffff, v12, v4  }
0xbc: {  	(xrf1) =	vsort.dscd.msk.f32 $0xffff, v7, v3;
	v7 =	vld [tilespmem:s16+$0xFFFFFF90]  }
0xbd: {  	(xrf1) =	vsort.ascd.msk.f32 $0xffff, v8, v2  }
0xbe: {  	(xrf1) =	vsort.dscd.msk.f32 $0xffff, v9, v3  }
0xbf: {  	(xrf1) =	vsort.ascd.msk.f32 $0xffff, v10, v4  }
0xc0: {  	(xrf1) =	vsort.dscd.msk.f32 $0xffff, v11, v3  }
0xc1: {  	(xrf1) =	vsort.ascd.msk.f32 $0xffff, v7, v2;
	v7 =	vld [tilespmem:s16+$0x0]  }
0xc2: {  	v8 =	vld [tilespmem:s16+$0x90]  }
0xc3: {  	s15 =	simm.s32 $0x8300;
	v9 =	vld [tilespmem:s16+$0xA0]  }
0xc4: {  	v14 =	vld [tilespmem:s15+$0xFFFFFF00];
	v10, v11, _ =	vpop (xrf1)  }
0xc5: {  	v17 =	vld [tilespmem:s15+$0x80];
	v12, v13, _ =	vpop (xrf1)  }
0xc6: {  	v18 =	vld [tilespmem:s16+$0xFFFFFF10];
	v15, v16, _ =	vpop (xrf1);
	(xrf1) =	vsort.dscd.msk.f32 $0xffff, v7, v1  }
0xc7: {  	v22 =	vld [tilespmem:s15+$0x30];
	v19, v20, _ =	vpop (xrf1);
	(xrf1) =	vsort.ascd.msk.f32 $0xffff, v8, v2  }
0xc8: {  	v8 =	vld [tilespmem:s15+$0xFFFFFF80];
	v7, v21, _ =	vpop (xrf1);
	(xrf1) =	vsort.dscd.msk.f32 $0xffff, v9, v3  }
0xc9: {  	v23, v24, _ =	vpop (xrf1);
	(xrf1) =	vsort.dscd.msk.f32 $0xffff, v14, v1;
	v14 =	vld [tilespmem:s15+$0xB0]  }
0xca: {  	v26 =	vld [tilespmem:s15+$0xFFFFFF30];
	v9, v25, _ =	vpop (xrf1);
	(xrf1) =	vsort.dscd.msk.f32 $0xffff, v17, v1  }
0xcb: {  	v28 =	vld [tilespmem:s15+$0x20];
	v17, v27, _ =	vpop (xrf1);
	(xrf1) =	vsort.ascd.msk.f32 $0xffff, v18, v2  }
0xcc: {  	v29, v30, _ =	vpop (xrf1);
	(xrf1) =	vsort.ascd.msk.f32 $0xffff, v22, v4  }
0xcd: {  	v18, v31, _ =	vpop (xrf1);
	(xrf1) =	vsort.dscd.msk.f32 $0xffff, v8, v1  }
0xce: {  	v22, v46, _ =	vpop (xrf1);
	(xrf1) =	vsort.ascd.msk.f32 $0xffff, v14, v4;
	vm3 =	vge.f32 v29, v18  }
0xcf: {  	v14 =	vld [tilespmem:s15+$0x10];
	v18 =	vmax.f32 v29, v18;
	vm2 =	vge.f32 v22, v23;
	v8, v47, _ =	vpop (xrf1);
	(xrf1) =	vsort.ascd.msk.f32 $0xffff, v26, v4  }
0xd0: {  	v26 =	vsel vm3, v30, v31;
	vm4 =	vge.f32 v19, v8;
	(xrf1) =	vsort.dscd.msk.f32 $0xffff, v28, v3  }
0xd1: {  	v28 =	vld [tilespmem:s15+$0xFFFFFFA0];
	v8 =	vmax.f32 v19, v8;
	v20 =	vsel vm4, v20, v47;
	(xrf1) =	vsort.ascd.msk.f32 $0xffff, v18, v26  }
0xd2: {  	v19 =	vmax.f32 v22, v23;
	v22 =	vsel vm2, v46, v24;
	v18 =	vld [tilespmem:s15+$0xFFFFFFB0];
	(xrf1) =	vsort.dscd.msk.f32 $0xffff, v8, v20  }
0xd3: {  	v20 =	vld [tilespmem:s15+$0xFFFFFF20];
	(xrf1) =	vsort.ascd.msk.f32 $0xffff, v19, v22  }
0xd4: {  	v22 =	vld [tilespmem:s15+$0xFFFFFF90];
	v23, v24, _ =	vpop (xrf1);
	(xrf1) =	vsort.ascd.msk.f32 $0xffff, v14, v2  }
0xd5: {  	vm2 =	vge.f32 v9, v15;
	v14, v26, _ =	vpop (xrf1)  }
0xd6: {  	v16 =	vsel vm2, v25, v16;
	(xrf1) =	vsort.dscd.msk.f32 $0xffff, v28, v3;
	vm2 =	vge.f32 v23, v17;
	v28, v29, _ =	vpop (xrf1)  }
0xd7: {  	v15 =	vmax.f32 v9, v15;
	(xrf1) =	vsort.ascd.msk.f32 $0xffff, v18, v4;
	v24 =	vsel vm2, v24, v27;
	v19, v8, _ =	vpop (xrf1)  }
0xd8: {  	v17 =	vmax.f32 v23, v17;
	v18 =	vld [tilespmem:s15+$0x0];
	(xrf1) =	vsort.dscd.msk.f32 $0xffff, v20, v3;
	v9, v25, _ =	vpop (xrf1)  }
0xd9: {  	v20 =	vld [tilespmem:s15+$0x90];
	(xrf1) =	vsort.ascd.msk.f32 $0xffff, v22, v2;
	v23, v27, _ =	vpop (xrf1)  }
0xda: {  	s31 =	simm.s32 $0x8500;
	vm3 =	vge.f32 v12, v14;
	v22 =	vld [tilespmem:s15+$0xA0];
	(xrf1) =	vsort.ascd.msk.f32 $0xffff, v15, v16;
	v15, v16, _ =	vpop (xrf1)  }
0xdb: {  	v12 =	vmax.f32 v12, v14;
	v14 =	vld [tilespmem:s31+$0xFFFFFF00];
	v13 =	vsel vm3, v13, v26;
	(xrf1) =	vsort.dscd.msk.f32 $0xffff, v17, v24;
	v17, v24, _ =	vpop (xrf1)  }
0xdc: {  	v26 =	vld [tilespmem:s31+$0x80];
	(xrf1) =	vsort.dscd.msk.f32 $0xffff, v12, v13;
	v31, v48, _ =	vpop (xrf1)  }
0xdd: {  	(xrf1) =	vsort.dscd.msk.f32 $0xffff, v18, v1;
	v18, v30, _ =	vpop (xrf1)  }
0xde: {  	(xrf1) =	vsort.ascd.msk.f32 $0xffff, v20, v2;
	v20, v49, _ =	vpop (xrf1)  }
0xdf: {  	vm2 =	vge.f32 v28, v7;
	(xrf1) =	vsort.dscd.msk.f32 $0xffff, v22, v3;
	v22 =	vld [tilespmem:s15+$0xFFFFFF10];
	v50, v51, _ =	vpop (xrf1)  }
0xe0: {  	v21 =	vsel vm2, v29, v21;
	v29 =	vld [tilespmem:s31+$0x30];
	vm2 =	vge.f32 v10, v23;
	(xrf1) =	vsort.dscd.msk.f32 $0xffff, v14, v1;
	v14, v52, _ =	vpop (xrf1)  }
0xe1: {  	v10 =	vmax.f32 v10, v23;
	v23 =	vld [tilespmem:s31+$0xFFFFFF80];
	v11 =	vsel vm2, v11, v27;
	v13, v12, _ =	vpop (xrf1);
	(xrf1) =	vsort.dscd.msk.f32 $0xffff, v26, v1  }
0xe2: {  	v7 =	vmax.f32 v28, v7;
	v27 =	vld [tilespmem:s31+$0xB0];
	v26 =	vmax.f32 v14, v50;
	v53, v28, _ =	vpop (xrf1);
	(xrf1) =	vsort.dscd.msk.f32 $0xffff, v10, v11  }
0xe3: {  	v54 =	vmax.f32 v20, v15;
	v10 =	vld [tilespmem:s31+$0xFFFFFF30];
	v11 =	vperm.xlane v26, v5;
	(xrf1) =	vsort.ascd.msk.f32 $0xffff, v7, v21  }
0xe4: {  	vm3 =	vge.f32 v20, v15;
	vm2 =	vge.f32 v14, v50;
	v14, v34, _ =	vpop (xrf1);
	v21 =	vld [tilespmem:s31+$0x20];
	(xrf1) =	vsort.ascd.msk.f32 $0xffff, v22, v2  }
0xe5: {  	v56 =	vsel vm3, v49, v16;
	v7 =	vsel vm2, v52, v51;
	v22, v55, _ =	vpop (xrf1);
	(xrf1) =	vsort.ascd.msk.f32 $0xffff, v29, v4  }
0xe6: {  	vm2 =	vgt.f32 v26, v11;
	vm3 =	vge.f32 v26, v11;
	v15, v29, _ =	vpop (xrf1);
	(xrf1) =	vsort.dscd.msk.f32 $0xffff, v23, v1  }
0xe7: {  	vm5 =	vge.f32 v14, v22;
	v22 =	vmax.f32 v14, v22;
	v11, v16, _ =	vpop (xrf1);
	(xrf1) =	vsort.ascd.msk.f32 $0xffff, v27, v4  }
0xe8: {  	v23, v27, _ =	vpop (xrf1);
	vm6 =	vge.f32 v17, v11;
	v11 =	vmax.f32 v17, v11;
	(xrf1) =	vsort.ascd.msk.f32 $0xffff, v10, v4  }
0xe9: {  	v58 =	vld [tilespmem:s31+$0x10];
	v26 =	vsel vm5, v34, v55;
	v10, v57, _ =	vpop (xrf1);
	v16 =	vsel vm6, v24, v16;
	(xrf1) =	vsort.dscd.msk.f32 $0xffff, v21, v3  }
0xea: {  	vm4 =	vge.f32 v15, v18;
	v15 =	vmax.f32 v15, v18;
	v20, v14, _ =	vpop (xrf1);
	v21 =	vld [tilespmem:s31+$0xFFFFFFA0];
	(xrf1) =	vsort.ascd.msk.f32 $0xffff, v22, v26  }
0xeb: {  	vm3 =	vmand vm3, vm0;
	v17 =	vsel vm4, v29, v30;
	v29 =	vmax.f32 v10, v23;
	v24, v59, _ =	vpop (xrf1);
	v22 =	vld [tilespmem:s31+$0xFFFFFFB0];
	(xrf1) =	vsort.dscd.msk.f32 $0xffff, v11, v16  }
0xec: {  	v60 =	vld [tilespmem:s31+$0xFFFFFF20];
	vm2 =	vmand vm1, vm2;
	vm7 =	vge.f32 v10, v23;
	v62 =	vperm.xlane v29, v5;
	v26, v11, _ =	vpop (xrf1);
	(xrf1) =	vsort.ascd.msk.f32 $0xffff, v15, v17  }
0xed: {  	v42 =	vld [tilespmem:s31+$0xFFFFFF90];
	vm4 =	vge.f32 v24, v53;
	v38 =	vmax.f32 v24, v53;
	v61, v16, _ =	vpop (xrf1);
	vm5 =	vge.f32 v9, v26  }
0xee: {  	vm2 =	vmor vm3, vm2;
	vm3 =	vgt.f32 v29, v62;
	v37 =	vsel vm4, v59, v28;
	v17, v15, _ =	vpop (xrf1);
	(xrf1) =	vsort.ascd.msk.f32 $0xffff, v58, v2  }
0xef: {  	vm6 =	vge.f32 v61, v31;
	v30 =	vsel vm5, v25, v11;
	(xrf1) =	vsort.dscd.msk.f32 $0xffff, v21, v3;
	v18, v10, _ =	vpop (xrf1)  }
0xf0: {  	v33 =	vld [tilespmem:s31+$0x0];
	vm5 =	vge.f32 v29, v62;
	(xrf1) =	vsort.ascd.msk.f32 $0xffff, v22, v4;
	v22 =	vmax.f32 v61, v31;
	v31, v29, _ =	vpop (xrf1)  }
0xf1: {  	v34 =	vld [tilespmem:s31+$0x90];
	v11 =	vsel vm7, v57, v27;
	vm3 =	vmand vm1, vm3;
	v21 =	vsel vm6, v16, v48;
	(xrf1) =	vsort.dscd.msk.f32 $0xffff, v60, v3;
	v36, v23, _ =	vpop (xrf1)  }
0xf2: {  	v27 =	vld [tilespmem:s31+$0xFFFFFF10];
	vm6 =	vmand vm5, vm0;
	v28 =	vmax.f32 v31, v13;
	(xrf1) =	vsort.ascd.msk.f32 $0xffff, v42, v2;
	v63, v35, _ =	vpop (xrf1);
	vm4 =	vge.f32 v20, v36  }
0xf3: {  	s16 =	simm.s32 $0x8700;
	s15 =	simm.s32 $0x8;
	v16 =	vld [tilespmem:s31+$0xA0];
	vm3 =	vmor vm6, vm3;
	v25, v24, _ =	vpop (xrf1);
	vm5 =	vge.f32 v19, v63;
	v32 =	vmax.f32 v19, v63;
	(xrf1) =	vsort.ascd.msk.f32 $0xffff, v54, v56  }
.LBB2_4:
0xf4: {  	v39 =	vld [tilespmem:s16+$0xFFFFFF00];
	s15 =	sadd.s32 $0x4, s15;
	v40, v41, _ =	vpop (xrf1);
	v43 =	vmax.f32 v9, v26;
	(xrf1) =	vsort.dscd.msk.f32 $0xffff, v38, v37;
	v20 =	vmax.f32 v20, v36;
	v19 =	vmov v17  }
0xf5: {  	vm6 =	vge.f32 v31, v13;
	v13 =	vperm.xlane v28, v5;
	v9 =	vmov v18;
	v17 =	vld [tilespmem:s16+$0x80];
	p0 =	slt.u32 s15, $0xFC;
	v36, v37, _ =	vpop (xrf1);
	(xrf1) =	vsort.dscd.msk.f32 $0xffff, v43, v30  }
0xf6: {  	v29 =	vsel vm6, v29, v12;
	v31 =	vperm.xlane v20, v5;
	v18 =	vld [tilespmem:s16+$0xFFFFFF80];
	v26, v30, _ =	vpop (xrf1);
	(xrf1) =	vsort.dscd.msk.f32 $0xffff, v33, v1  }
0xf7: {  	v33 =	vld [tilespmem:s16+$0x30];
	v38, v42, _ =	vpop (xrf1);
	(xrf1) =	vsort.ascd.msk.f32 $0xffff, v34, v2;
	v34 =	vsel vm5, v8, v35;
	vm5 =	vge.f32 v28, v13;
	v8 =	vmov v15  }
0xf8: {  	vm6 =	vgt.f32 v28, v13;
	(xrf1) =	vsort.dscd.msk.f32 $0xffff, v16, v3;
	v12, v15, _ =	vpop (xrf1);
	vm5 =	vmand vm5, vm0;
	[tilespmem:v7+s11+$0x0] =	vst.idx.add.f32.msk vm2, v6  }
0xf9: {  	vm2 =	vmand vm1, vm6;
	vm6 =	vge.f32 v20, v31;
	v28 =	vld [tilespmem:s16+$0xFFFFFF30];
	(xrf1) =	vsort.dscd.msk.f32 $0xffff, v39, v1;
	v39 =	vmax.f32 v38, v25;
	v7, v16, _ =	vpop (xrf1)  }
0xfa: {  	vm5 =	vmor vm5, vm2;
	vm7 =	vge.f32 v7, v12;
	v35 =	vmax.f32 v7, v12;
	v13, v12, _ =	vpop (xrf1);
	[tilespmem:v11+s11+$0x0] =	vst.idx.add.f32.msk vm3, v6  }
0xfb: {  	vm2 =	vgt.f32 v20, v31;
	vm3 =	vmand vm6, vm0;
	v11 =	vld [tilespmem:s16+$0xB0];
	(xrf1) =	vsort.dscd.msk.f32 $0xffff, v17, v1;
	v17 =	vperm.xlane v35, v5  }
0xfc: {  	v7 =	vsel vm7, v16, v15;
	v15 =	vsel vm4, v14, v23;
	vm4 =	vmand vm1, vm2;
	v20 =	vld [tilespmem:s16+$0x20];
	v43, v44, _ =	vpop (xrf1);
	(xrf1) =	vsort.dscd.msk.f32 $0xffff, v32, v34  }
0xfd: {  	vm6 =	vge.f32 v38, v25;
	vm4 =	vmor vm3, vm4;
	v16 =	vld [tilespmem:s16+$0xA0];
	v14, v23, _ =	vpop (xrf1);
	vm2 =	vgt.f32 v35, v17;
	(xrf1) =	vsort.ascd.msk.f32 $0xffff, v22, v21  }
0xfe: {  	v42 =	vsel vm6, v42, v24;
	vm3 =	vge.f32 v35, v17;
	(xrf1) =	vsort.ascd.msk.f32 $0xffff, v27, v2;
	v21, v22, _ =	vpop (xrf1)  }
0xff: {  	vm3 =	vmand vm3, vm0;
	(xrf1) =	vsort.ascd.msk.f32 $0xffff, v33, v4;
	v17, v24, _ =	vpop (xrf1);
	vm7 =	vge.f32 v14, v21  }
0x100: {  	v21 =	vmax.f32 v14, v21;
	(xrf1) =	vsort.dscd.msk.f32 $0xffff, v18, v1;
	vm6 =	vge.f32 v17, v26;
	v18, v25, _ =	vpop (xrf1)  }
0x101: {  	v27 =	vld [tilespmem:s16+$0x10];
	(xrf1) =	vsort.ascd.msk.f32 $0xffff, v11, v4;
	vm8 =	vge.f32 v40, v18;
	v11 =	vsel vm7, v23, v22;
	v22, v23, _ =	vpop (xrf1)  }
0x102: {  	(xrf1) =	vsort.ascd.msk.f32 $0xffff, v28, v4;
	v28, v31, _ =	vpop (xrf1);
	[tilespmem:v29+s11+$0x0] =	vst.idx.add.f32.msk vm5, v6;
	v25 =	vsel vm8, v41, v25  }
0x103: {  	(xrf1) =	vsort.dscd.msk.f32 $0xffff, v20, v3;
	v20, v14, _ =	vpop (xrf1);
	[tilespmem:v15+s11+$0x0] =	vst.idx.add.f32.msk vm4, v6;
	v15 =	vmax.f32 v17, v26  }
0x104: {  	v17 =	vmax.f32 v40, v18;
	v29 =	vld [tilespmem:s16+$0xFFFFFFA0];
	(xrf1) =	vsort.ascd.msk.f32 $0xffff, v21, v11;
	v32, v34, _ =	vpop (xrf1)  }
0x105: {  	v11 =	vsel vm6, v24, v30;
	v24 =	vmax.f32 v28, v22;
	v33 =	vld [tilespmem:s16+$0xFFFFFFB0];
	(xrf1) =	vsort.dscd.msk.f32 $0xffff, v17, v25;
	v26, v18, _ =	vpop (xrf1)  }
0x106: {  	vm4 =	vge.f32 v32, v43;
	v38 =	vperm.xlane v24, v5;
	v25 =	vld [tilespmem:s16+$0xFFFFFF20];
	(xrf1) =	vsort.ascd.msk.f32 $0xffff, v15, v11;
	v35, v21, _ =	vpop (xrf1)  }
0x107: {  	vm7 =	vge.f32 v28, v22;
	vm5 =	vge.f32 v9, v26;
	v40 =	vld [tilespmem:s16+$0xFFFFFF90];
	v17, v15, _ =	vpop (xrf1);
	vm6 =	vge.f32 v35, v36  }
0x108: {  	v11 =	vsel vm7, v31, v23;
	v30 =	vsel vm5, v10, v18;
	(xrf1) =	vsort.ascd.msk.f32 $0xffff, v27, v2  }
.Ltmp1:
0x109: {  	vm2 =	vmand vm1, vm2;
	vm5 =	vge.f32 v24, v38;
	v21 =	vsel vm6, v21, v37;
	(xrf1) =	vsort.dscd.msk.f32 $0xffff, v29, v3;
	v18, v10, _ =	vpop (xrf1);
	(pc) =	sbr.rel @p0 .LBB2_4-.Ltmp1, $4  }
0x10a: {  	vm2 =	vmor vm3, vm2;
	v22 =	vmax.f32 v35, v36;
	vm3 =	vgt.f32 v24, v38;
	(xrf1) =	vsort.ascd.msk.f32 $0xffff, v33, v4;
	v31, v29, _ =	vpop (xrf1)  }
0x10b: {  	v37 =	vsel vm4, v34, v44;
	vm3 =	vmand vm1, vm3;
	v33 =	vld [tilespmem:s16+$0x0];
	(xrf1) =	vsort.dscd.msk.f32 $0xffff, v25, v3;
	v28 =	vmax.f32 v31, v13;
	v36, v23, _ =	vpop (xrf1)  }
0x10c: {  	v38 =	vmax.f32 v32, v43;
	vm6 =	vmand vm5, vm0;
	v34 =	vld [tilespmem:s16+$0x90];
	(xrf1) =	vsort.ascd.msk.f32 $0xffff, v40, v2;
	v32, v35, _ =	vpop (xrf1);
	vm4 =	vge.f32 v20, v36  }
0x10d: {  	vm3 =	vmor vm6, vm3;
	v27 =	vld [tilespmem:s16+$0xFFFFFF10];
	s16 =	sadd.s32 $0x200, s16;
	v25, v24, _ =	vpop (xrf1);
	vm5 =	vge.f32 v19, v32;
	v32 =	vmax.f32 v19, v32;
	(xrf1) =	vsort.ascd.msk.f32 $0xffff, v39, v42  }
0x10e: {  	v9 =	vmax.f32 v9, v26  }
0x10f: {  	(xrf1) =	vsort.dscd.msk.f32 $0xffff, v38, v37  }
0x110: {  	v19, v26, _ =	vpop (xrf1);
	(xrf1) =	vsort.dscd.msk.f32 $0xffff, v9, v30  }
0x111: {  	v9, v30, _ =	vpop (xrf1);
	(xrf1) =	vsort.dscd.msk.f32 $0xffff, v33, v1  }
0x112: {  	v8 =	vsel vm5, v8, v35;
	v53, v52, _ =	vpop (xrf1);
	(xrf1) =	vsort.ascd.msk.f32 $0xffff, v34, v2  }
0x113: {  	v55, v54, _ =	vpop (xrf1);
	(xrf1) =	vsort.dscd.msk.f32 $0xffff, v16, v3  }
0x114: {  	v16, v56, _ =	vpop (xrf1);
	(xrf1) =	vsort.dscd.msk.f32 $0xffff, v32, v8  }
0x115: {  	v8, v32, _ =	vpop (xrf1);
	(xrf1) =	vsort.ascd.msk.f32 $0xffff, v22, v21  }
0x116: {  	vm13 =	vge.f32 v31, v13;
	v13 =	vperm.xlane v28, v5;
	v21, v22, _ =	vpop (xrf1);
	(xrf1) =	vsort.ascd.msk.f32 $0xffff, v27, v2  }
0x117: {  	v27, v39, _ =	vpop (xrf1)  }
0x118: {  	v20 =	vmax.f32 v20, v36;
	v31, v57, _ =	vpop (xrf1)  }
0x119: {  	v12 =	vsel vm13, v29, v12;
	v29 =	vperm.xlane v20, v5;
	v40, v41, _ =	vpop (xrf1)  }
0x11a: {  	v14 =	vsel vm4, v14, v23;
	vm9 =	vge.f32 v28, v13;
	vm8 =	vgt.f32 v28, v13;
	v13, v28, _ =	vpop (xrf1)  }
0x11b: {  	vm5 =	vge.f32 v20, v29;
	vm6 =	vge.f32 v8, v16;
	v8 =	vmax.f32 v8, v16;
	v58, v43, _ =	vpop (xrf1)  }
0x11c: {  	vm15 =	vge.f32 v31, v40;
	v31 =	vmax.f32 v31, v40;
	v16, v23, _ =	vpop (xrf1);
	vm10 =	vge.f32 v19, v58  }
0x11d: {  	vm7 =	vgt.f32 v20, v29;
	v20 =	vsel vm15, v57, v41;
	v59, v60, _ =	vpop (xrf1);
	v26 =	vsel vm10, v26, v43  }
0x11e: {  	vm12 =	vge.f32 v13, v53;
	v13 =	vmax.f32 v13, v53;
	v19 =	vmax.f32 v19, v58;
	v29, v61, _ =	vpop (xrf1)  }
0x11f: {  	v42 =	vmax.f32 v55, v25;
	vm14 =	vge.f32 v55, v25;
	v25 =	vperm.xlane v8, v5;
	v63, v62, _ =	vpop (xrf1)  }
0x120: {  	v24 =	vsel vm14, v54, v24;
	(xrf1) =	vsort.ascd.msk.f32 $0xffff, v31, v20;
	v28 =	vsel vm12, v28, v52;
	v20, v31, _ =	vpop (xrf1)  }
0x121: {  	vm13 =	vmand vm9, vm0;
	v32 =	vsel vm6, v32, v56;
	vm6 =	vgt.f32 v8, v25;
	(xrf1) =	vsort.dscd.msk.f32 $0xffff, v19, v26;
	v19, v26, _ =	vpop (xrf1)  }
0x122: {  	vm8 =	vmand vm1, vm8;
	vm9 =	vge.f32 v8, v25;
	(xrf1) =	vsort.ascd.msk.f32 $0xffff, v13, v28;
	vm14 =	vge.f32 v63, v27;
	v8, v13, _ =	vpop (xrf1)  }
0x123: {  	vm4 =	vmor vm13, vm8;
	v27 =	vmax.f32 v63, v27;
	(xrf1) =	vsort.ascd.msk.f32 $0xffff, v42, v24;
	v25 =	vsel vm14, v62, v39;
	v28, v41, _ =	vpop (xrf1)  }
0x124: {  	vm5 =	vmand vm5, vm0;
	vm7 =	vmand vm1, vm7;
	vm15 =	vge.f32 v18, v20;
	(xrf1) =	vsort.dscd.msk.f32 $0xffff, v27, v25;
	v42, v43, _ =	vpop (xrf1)  }
0x125: {  	v18 =	vmax.f32 v18, v20;
	v10 =	vsel vm15, v10, v31;
	vm12 =	vge.f32 v17, v42  }
0x126: {  	vm5 =	vmor vm5, vm7;
	(xrf1) =	vsort.dscd.msk.f32 $0xffff, v18, v10;
	v17 =	vmax.f32 v17, v42;
	v10 =	vsel vm12, v15, v43  }
0x127: {  	vm6 =	vmand vm1, vm6;
	v24 =	vmax.f32 v59, v16;
	vm13 =	vge.f32 v19, v9;
	(xrf1) =	vsort.dscd.msk.f32 $0xffff, v17, v10  }
0x128: {  	vm14 =	vge.f32 v59, v16;
	v9 =	vmax.f32 v19, v9;
	v10 =	vsel vm13, v26, v30  }
0x129: {  	vm15 =	vmand vm9, vm0;
	v16 =	vsel vm14, v60, v23;
	v15 =	vperm.xlane v24, v5;
	(xrf1) =	vsort.ascd.msk.f32 $0xffff, v9, v10  }
0x12a: {  	vm6 =	vmor vm15, vm6;
	vm15 =	vge.f32 v8, v21;
	v9 =	vmax.f32 v8, v21  }
0x12b: {  	vm12 =	vge.f32 v24, v15;
	vm13 =	vgt.f32 v24, v15;
	v10 =	vperm.xlane v9, v5  }
0x12c: {  	v15 =	vmax.f32 v29, v28;
	vm14 =	vmand vm1, vm13;
	vm8 =	vmand vm12, vm0  }
0x12d: {  	vm9 =	vge.f32 v29, v28;
	v8 =	vperm.xlane v15, v5;
	vm7 =	vmor vm8, vm14  }
0x12e: {  	v17, v18, _ =	vpop (xrf1);
	vm12 =	vge.f32 v9, v10;
	vm11 =	vgt.f32 v9, v10;
	v9 =	vsel vm15, v13, v22  }
0x12f: {  	vm13 =	vgt.f32 v15, v8;
	v22 =	vsel vm9, v61, v41;
	vm8 =	vmand vm12, vm0;
	v10, v13, _ =	vpop (xrf1)  }
0x130: {  	vm10 =	vmand vm1, vm11;
	vm12 =	vge.f32 v10, v17;
	v10 =	vmax.f32 v10, v17;
	v17, v19, _ =	vpop (xrf1)  }
0x131: {  	vm11 =	vge.f32 v15, v8;
	vm8 =	vmor vm8, vm10;
	v20 =	vperm.xlane v10, v5;
	v8, v15, _ =	vpop (xrf1)  }
0x132: {  	vm11 =	vmand vm11, vm0;
	vm10 =	vmand vm1, vm13;
	v13 =	vsel vm12, v13, v18;
	v18, v21, _ =	vpop (xrf1)  }
0x133: {  	vm9 =	vmor vm11, vm10;
	v23 =	vmax.f32 v18, v8;
	vm10 =	vge.f32 v10, v20  }
0x134: {  	v24, v25, _ =	vpop (xrf1);
	vm11 =	vge.f32 v18, v8;
	vm12 =	vgt.f32 v10, v20;
	v26 =	vperm.xlane v23, v5  }
0x135: {  	vm10 =	vmand vm10, vm0;
	v8 =	vsel vm11, v21, v15;
	vm11 =	vmand vm1, vm12;
	v10, v15, _ =	vpop (xrf1)  }
0x136: {  	[tilespmem:v7+s11+$0x0] =	vst.idx.add.f32.msk vm2, v6;
	vm2 =	vmor vm10, vm11;
	v18 =	vmax.f32 v10, v17  }
0x137: {  	vm12 =	vge.f32 v23, v26;
	vm14 =	vgt.f32 v23, v26;
	v7, v20, _ =	vpop (xrf1);
	v21 =	vperm.xlane v18, v5  }
0x138: {  	[tilespmem:v11+s11+$0x0] =	vst.idx.add.f32.msk vm3, v6;
	vm3 =	vmand vm1, vm14;
	vm10 =	vmand vm12, vm0;
	v11 =	vmax.f32 v24, v7  }
0x139: {  	v23 =	vperm.xlane v11, v5;
	vm11 =	vge.f32 v18, v21;
	vm12 =	vgt.f32 v18, v21  }
0x13a: {  	[tilespmem:v12+s11+$0x0] =	vst.idx.add.f32.msk vm4, v6;
	vm3 =	vmor vm10, vm3;
	vm15 =	vmand vm11, vm0;
	vm12 =	vmand vm1, vm12  }
0x13b: {  	[tilespmem:v14+s11+$0x0] =	vst.idx.add.f32.msk vm5, v6;
	vm13 =	vge.f32 v11, v23;
	vm14 =	vgt.f32 v11, v23;
	vm4 =	vmor vm15, vm12  }
0x13c: {  	[tilespmem:v32+s11+$0x0] =	vst.idx.add.f32.msk vm6, v6;
	vm15 =	vge.f32 v10, v17;
	vm5 =	vmand vm13, vm0;
	vm10 =	vmand vm1, vm14  }
0x13d: {  	[tilespmem:v16+s11+$0x0] =	vst.idx.add.f32.msk vm7, v6;
	v10 =	vsel vm15, v15, v19;
	vm5 =	vmor vm5, vm10;
	vm10 =	vge.f32 v24, v7  }
0x13e: {  	[tilespmem:v9+s11+$0x0] =	vst.idx.add.f32.msk vm8, v6;
	v7 =	vsel vm10, v25, v20  }
0x13f: {  	[tilespmem:v22+s11+$0x0] =	vst.idx.add.f32.msk vm9, v6  }
0x140: {  	[tilespmem:v13+s11+$0x0] =	vst.idx.add.f32.msk vm2, v6  }
0x141: {  	[tilespmem:v8+s11+$0x0] =	vst.idx.add.f32.msk vm3, v6  }
0x142: {  	[tilespmem:v10+s11+$0x0] =	vst.idx.add.f32.msk vm4, v6  }
0x143: {  	[tilespmem:v7+s11+$0x0] =	vst.idx.add.f32.msk vm5, v6  }
0x144: {  	[tilespmem:s9], [sflag:$0x2] =	stream.linear.gather [hbm4b:s6+s2], $0x8000, $0x38;
	[tilespmem:$0x10080] =	vst v63  }
0x145: {  	_ =	swait.ge [sflag:s10], $0x8000  }
0x146: {  	[sflag:s10] =	ssyncset.done $0x0  }
0x147: {  	s15 =	simm.s32 $0x100;
	[sflag:s10] =	ssyncadd.s32 $0xFFFF8000  }
0x148: {  	v7 =	vld [tilespmem:s15+$0xFFFFFF30]  }
0x149: {  	v9 =	vld [tilespmem:s15+$0xFFFFFF00]  }
0x14a: {  	v11 =	vld [tilespmem:s15+$0x10]  }
0x14b: {  	v12 =	vld [tilespmem:s15+$0x0]  }
0x14c: {  	v10 =	vor.u32 $0x70, v1;
	v13 =	vld [tilespmem:s15+$0x20]  }
0x14d: {  	v8 =	vor.u32 $0x40, v1;
	v14 =	vld [tilespmem:s15+$0xFFFFFF80];
	(xrf1) =	vsort.ascd.msk.f32 $0xffff, v7, v10  }
0x14e: {  	v15 =	vld [tilespmem:s15+$0xFFFFFFB0];
	v7 =	vor.u32 $0x50, v1;
	(xrf1) =	vsort.dscd.msk.f32 $0xffff, v9, v8  }
0x14f: {  	(xrf1) =	vsort.ascd.msk.f32 $0xffff, v11, v7;
	v11 =	vld [tilespmem:s15+$0x30]  }
0x150: {  	v16 =	vld [tilespmem:s15+$0xFFFFFF90];
	v9 =	vor.u32 $0x60, v1;
	(xrf1) =	vsort.dscd.msk.f32 $0xffff, v12, v8  }
0x151: {  	(xrf1) =	vsort.dscd.msk.f32 $0xffff, v13, v9  }
0x152: {  	(xrf1) =	vsort.dscd.msk.f32 $0xffff, v14, v8  }
0x153: {  	(xrf1) =	vsort.ascd.msk.f32 $0xffff, v15, v10  }
0x154: {  	(xrf1) =	vsort.ascd.msk.f32 $0xffff, v11, v10  }
0x155: {  	v11 =	vld [tilespmem:s15+$0xFFFFFF10];
	(xrf1) =	vsort.ascd.msk.f32 $0xffff, v16, v7  }
0x156: {  	v12 =	vld [tilespmem:s15+$0xFFFFFF20]  }
0x157: {  	v13 =	vld [tilespmem:s15+$0xFFFFFFA0];
	_ =	sdelay $0x2  }
0x158: {  	v14 =	vld [tilespmem:s15+$0xA0];
	(xrf1) =	vsort.ascd.msk.f32 $0xffff, v11, v7  }
0x159: {  	v11 =	vld [tilespmem:s15+$0xB0];
	(xrf1) =	vsort.dscd.msk.f32 $0xffff, v12, v9;
	v15, v16, _ =	vpop (xrf1)  }
0x15a: {  	v12 =	vld [tilespmem:s15+$0x80];
	(xrf1) =	vsort.dscd.msk.f32 $0xffff, v13, v9;
	v13, v17, _ =	vpop (xrf1)  }
0x15b: {  	s31 =	simm.s32 $0x300;
	v18 =	vld [tilespmem:s15+$0x90];
	v19, v20, _ =	vpop (xrf1)  }
0x15c: {  	v23 =	vld [tilespmem:s31+$0xFFFFFF30];
	v21, v22, _ =	vpop (xrf1)  }
0x15d: {  	(xrf1) =	vsort.dscd.msk.f32 $0xffff, v14, v9;
	v24, v25, _ =	vpop (xrf1)  }
0x15e: {  	v14 =	vld [tilespmem:s31+$0xFFFFFF00];
	(xrf1) =	vsort.ascd.msk.f32 $0xffff, v11, v10;
	v11, v26, _ =	vpop (xrf1)  }
0x15f: {  	v27 =	vld [tilespmem:s31+$0x10];
	(xrf1) =	vsort.dscd.msk.f32 $0xffff, v12, v8;
	v12, v28, _ =	vpop (xrf1)  }
0x160: {  	(xrf1) =	vsort.ascd.msk.f32 $0xffff, v18, v7;
	v30, v31, _ =	vpop (xrf1)  }
0x161: {  	v29 =	vld [tilespmem:s31+$0x0];
	(xrf1) =	vsort.ascd.msk.f32 $0xffff, v23, v10;
	v23, v44, _ =	vpop (xrf1)  }
0x162: {  	v18 =	vld [tilespmem:s31+$0x20];
	vm2 =	vge.f32 v11, v23  }
0x163: {  	v45 =	vld [tilespmem:s31+$0xFFFFFF80];
	(xrf1) =	vsort.dscd.msk.f32 $0xffff, v14, v8;
	v14 =	vsel vm2, v26, v44  }
0x164: {  	(xrf1) =	vsort.ascd.msk.f32 $0xffff, v27, v7;
	v11 =	vmax.f32 v11, v23  }
0x165: {  	v23 =	vld [tilespmem:s31+$0xFFFFFFB0];
	(xrf1) =	vsort.dscd.msk.f32 $0xffff, v11, v14  }
0x166: {  	vm2 =	vge.f32 v21, v19;
	v11 =	vld [tilespmem:s31+$0x30];
	(xrf1) =	vsort.dscd.msk.f32 $0xffff, v29, v8;
	v14, v26, _ =	vpop (xrf1)  }
0x167: {  	v19 =	vmax.f32 v21, v19;
	(xrf1) =	vsort.dscd.msk.f32 $0xffff, v18, v9;
	v18 =	vsel vm2, v22, v20;
	v21, v22, _ =	vpop (xrf1)  }
0x168: {  	v20 =	vld [tilespmem:s31+$0xFFFFFF90];
	(xrf1) =	vsort.dscd.msk.f32 $0xffff, v45, v8;
	v27, v29, _ =	vpop (xrf1)  }
0x169: {  	(xrf1) =	vsort.dscd.msk.f32 $0xffff, v19, v18;
	v18 =	vld [tilespmem:s31+$0xFFFFFF10];
	vm2 =	vge.f32 v27, v12;
	v12 =	vmax.f32 v27, v12  }
0x16a: {  	v19 =	vld [tilespmem:s31+$0xFFFFFF20];
	(xrf1) =	vsort.ascd.msk.f32 $0xffff, v23, v10  }
0x16b: {  	(xrf1) =	vsort.ascd.msk.f32 $0xffff, v11, v10;
	v11 =	vsel vm2, v29, v28;
	v23, v27, _ =	vpop (xrf1);
	v28 =	vld [tilespmem:s31+$0xFFFFFFA0]  }
0x16c: {  	(xrf1) =	vsort.ascd.msk.f32 $0xffff, v12, v11;
	v11 =	vld [tilespmem:s31+$0xA0];
	v12, v29, _ =	vpop (xrf1)  }
0x16d: {  	(xrf1) =	vsort.ascd.msk.f32 $0xffff, v20, v7;
	v20, v46, _ =	vpop (xrf1)  }
0x16e: {  	v48, v47, _ =	vpop (xrf1);
	(xrf1) =	vsort.ascd.msk.f32 $0xffff, v18, v7  }
0x16f: {  	v18, v49, _ =	vpop (xrf1);
	(xrf1) =	vsort.dscd.msk.f32 $0xffff, v19, v9  }
0x170: {  	vm3 =	vge.f32 v23, v12;
	v12 =	vmax.f32 v23, v12;
	(xrf1) =	vsort.dscd.msk.f32 $0xffff, v28, v9  }
0x171: {  	v50, v28, _ =	vpop (xrf1);
	(xrf1) =	vsort.dscd.msk.f32 $0xffff, v11, v9;
	v11 =	vsel vm3, v27, v29  }
0x172: {  	vm2 =	vge.f32 v24, v30;
	v19 =	vld [tilespmem:s31+$0xB0];
	vm11 =	vge.f32 v20, v48;
	v20 =	vmax.f32 v20, v48  }
0x173: {  	v24 =	vmax.f32 v24, v30;
	v25 =	vsel vm2, v25, v31;
	v23 =	vld [tilespmem:s31+$0x80];
	v27, v29, _ =	vpop (xrf1)  }
0x174: {  	vm2 =	vge.f32 v21, v15;
	v32 =	vsel vm11, v46, v47;
	(xrf1) =	vsort.ascd.msk.f32 $0xffff, v12, v11;
	v11, v12, _ =	vpop (xrf1)  }
0x175: {  	v16 =	vsel vm2, v22, v16;
	(xrf1) =	vsort.dscd.msk.f32 $0xffff, v20, v32;
	v20, v30, _ =	vpop (xrf1)  }
0x176: {  	s16 =	simm.s32 $0x500;
	v31 =	vld [tilespmem:s31+$0x90];
	vm3 =	vge.f32 v13, v14;
	v13 =	vmax.f32 v13, v14;
	(xrf1) =	vsort.ascd.msk.f32 $0xffff, v24, v25;
	v24, v51, _ =	vpop (xrf1)  }
0x177: {  	v15 =	vmax.f32 v21, v15;
	v25 =	vld [tilespmem:s16+$0xFFFFFF30];
	(xrf1) =	vsort.ascd.msk.f32 $0xffff, v19, v10;
	v19, v52, _ =	vpop (xrf1)  }
0x178: {  	v17 =	vsel vm3, v17, v26;
	v26 =	vld [tilespmem:s16+$0xFFFFFF00];
	(xrf1) =	vsort.dscd.msk.f32 $0xffff, v23, v8;
	v14, v44, _ =	vpop (xrf1)  }
0x179: {  	(xrf1) =	vsort.dscd.msk.f32 $0xffff, v13, v17;
	v17 =	vld [tilespmem:s16+$0x10];
	v13, v21, _ =	vpop (xrf1)  }
0x17a: {  	(xrf1) =	vsort.ascd.msk.f32 $0xffff, v15, v16;
	v15, v16, _ =	vpop (xrf1)  }
0x17b: {  	v22 =	vld [tilespmem:s16+$0x0];
	vm2 =	vge.f32 v20, v27;
	(xrf1) =	vsort.ascd.msk.f32 $0xffff, v31, v7;
	v31, v53, _ =	vpop (xrf1)  }
0x17c: {  	v54 =	vld [tilespmem:s16+$0x20];
	v29 =	vsel vm2, v30, v29;
	(xrf1) =	vsort.ascd.msk.f32 $0xffff, v25, v10;
	v23, v25, _ =	vpop (xrf1)  }
0x17d: {  	v30 =	vld [tilespmem:s16+$0xFFFFFF80];
	(xrf1) =	vsort.dscd.msk.f32 $0xffff, v26, v8;
	vm2 =	vge.f32 v19, v23;
	v19 =	vmax.f32 v19, v23  }
0x17e: {  	v56, v55, _ =	vpop (xrf1);
	(xrf1) =	vsort.ascd.msk.f32 $0xffff, v17, v7;
	v23 =	vsel vm2, v52, v25  }
0x17f: {  	v20 =	vmax.f32 v20, v27;
	v27 =	vld [tilespmem:s16+$0xFFFFFFB0];
	v25, v57, _ =	vpop (xrf1);
	(xrf1) =	vsort.dscd.msk.f32 $0xffff, v19, v23  }
0x180: {  	vm2 =	vge.f32 v24, v15;
	v23 =	vmax.f32 v24, v15;
	v24 =	vld [tilespmem:s16+$0x30];
	(xrf1) =	vsort.dscd.msk.f32 $0xffff, v22, v8  }
0x181: {  	v15, v19, _ =	vpop (xrf1);
	(xrf1) =	vsort.dscd.msk.f32 $0xffff, v54, v9  }
0x182: {  	v61 =	vld [tilespmem:s16+$0xFFFFFF90];
	vm3 =	vge.f32 v25, v18;
	v22 =	vmax.f32 v25, v18;
	v60, v59, _ =	vpop (xrf1);
	(xrf1) =	vsort.dscd.msk.f32 $0xffff, v30, v8  }
0x183: {  	v18 =	vld [tilespmem:s16+$0xFFFFFF10];
	v58 =	vmax.f32 v15, v13;
	vm12 =	vge.f32 v15, v13;
	v25, v13, _ =	vpop (xrf1);
	(xrf1) =	vsort.dscd.msk.f32 $0xffff, v20, v29  }
0x184: {  	vm14 =	vge.f32 v11, v31;
	v20 =	vld [tilespmem:s16+$0xFFFFFF20];
	v26, v15, _ =	vpop (xrf1);
	(xrf1) =	vsort.ascd.msk.f32 $0xffff, v27, v10  }
0x185: {  	v62 =	vld [tilespmem:s16+$0xFFFFFFA0];
	v17 =	vmax.f32 v11, v31;
	v19 =	vsel vm12, v19, v21;
	v29, v31, _ =	vpop (xrf1);
	(xrf1) =	vsort.ascd.msk.f32 $0xffff, v24, v10  }
0x186: {  	v11 =	vsel vm14, v12, v53;
	v21 =	vld [tilespmem:s16+$0xA0];
	v12, v45, _ =	vpop (xrf1);
	(xrf1) =	vsort.ascd.msk.f32 $0xffff, v58, v19  }
0x187: {  	vm13 =	vge.f32 v50, v56;
	v24, v46, _ =	vpop (xrf1);
	(xrf1) =	vsort.ascd.msk.f32 $0xffff, v61, v7  }
0x188: {  	v32 =	vmax.f32 v50, v56;
	v28 =	vsel vm13, v28, v55;
	v36, v30, _ =	vpop (xrf1);
	(xrf1) =	vsort.ascd.msk.f32 $0xffff, v18, v7  }
0x189: {  	v40 =	vsel vm2, v51, v16;
	v33 =	vsel vm3, v57, v49;
	v38, v34, _ =	vpop (xrf1);
	(xrf1) =	vsort.dscd.msk.f32 $0xffff, v20, v9  }
0x18a: {  	v27 =	vperm.xlane v17, v5;
	vm3 =	vge.f32 v60, v12;
	v18, v48, _ =	vpop (xrf1);
	(xrf1) =	vsort.dscd.msk.f32 $0xffff, v62, v9  }
0x18b: {  	vm2 =	vge.f32 v26, v25;
	(xrf1) =	vsort.dscd.msk.f32 $0xffff, v21, v9;
	v21 =	vsel vm3, v59, v45  }
0x18c: {  	v41 =	vld [tilespmem:s16+$0xB0];
	vm15 =	vge.f32 v14, v29;
	v47 =	vmax.f32 v60, v12;
	v12 =	vsel vm2, v15, v13;
	v16, v15, _ =	vpop (xrf1)  }
0x18d: {  	v43 =	vld [tilespmem:s16+$0x80];
	v37 =	vmax.f32 v36, v38;
	vm2 =	vge.f32 v24, v18;
	v13 =	vmax.f32 v24, v18;
	v18, v19, _ =	vpop (xrf1)  }
0x18e: {  	v39 =	vperm.xlane v37, v5;
	v63 =	vsel vm2, v46, v48;
	(xrf1) =	vsort.ascd.msk.f32 $0xffff, v47, v21;
	v35, v42, _ =	vpop (xrf1)  }
0x18f: {  	s15 =	simm.s32 $0x8;
	v20 =	vld [tilespmem:s16+$0x90];
	s16 =	simm.s32 $0x700;
	vm2 =	vge.f32 v17, v27;
	(xrf1) =	vsort.dscd.msk.f32 $0xffff, v13, v63;
	v13 =	vsel vm15, v44, v31;
	v24, v21, _ =	vpop (xrf1)  }
.LBB2_6:
0x190: {  	v44 =	vld [tilespmem:s16+$0xFFFFFF00];
	s15 =	sadd.s32 $0x4, s15;
	v45, v31, _ =	vpop (xrf1);
	(xrf1) =	vsort.ascd.msk.f32 $0xffff, v23, v40;
	vm3 =	vge.f32 v36, v38;
	v29 =	vmax.f32 v14, v29  }
0x191: {  	v25 =	vmax.f32 v26, v25;
	v23 =	vld [tilespmem:s16+$0xFFFFFF30];
	p0 =	slt.u32 s15, $0xFC;
	vm4 =	vge.f32 v45, v35;
	v36, v38, _ =	vpop (xrf1);
	(xrf1) =	vsort.ascd.msk.f32 $0xffff, v41, v10  }
0x192: {  	v26 =	vld [tilespmem:s16+$0x0];
	v40 =	vsel vm4, v31, v42;
	v41, v42, _ =	vpop (xrf1);
	(xrf1) =	vsort.dscd.msk.f32 $0xffff, v43, v8;
	v43 =	vperm.xlane v29, v5  }
0x193: {  	vm6 =	vgt.f32 v37, v39;
	v47 =	vsel vm3, v30, v34;
	v46 =	vld [tilespmem:s16+$0xFFFFFF80];
	(xrf1) =	vsort.dscd.msk.f32 $0xffff, v32, v28;
	v14, v31, _ =	vpop (xrf1)  }
0x194: {  	vm3 =	vgt.f32 v17, v27;
	v17 =	vperm.xlane v25, v5;
	v28 =	vld [tilespmem:s16+$0x20];
	v30, v34, _ =	vpop (xrf1);
	(xrf1) =	vsort.ascd.msk.f32 $0xffff, v22, v33  }
0x195: {  	vm5 =	vge.f32 v37, v39;
	vm8 =	vmand vm2, vm0;
	vm7 =	vmand vm1, vm3;
	v22 =	vld [tilespmem:s16+$0x10];
	v27, v48, _ =	vpop (xrf1);
	(xrf1) =	vsort.ascd.msk.f32 $0xffff, v20, v7  }
0x196: {  	vm10 =	vgt.f32 v29, v43;
	v20 =	vld [tilespmem:s16+$0x90];
	(xrf1) =	vsort.ascd.msk.f32 $0xffff, v23, v10;
	vm2 =	vge.f32 v36, v27;
	v32, v33, _ =	vpop (xrf1)  }
0x197: {  	v35 =	vmax.f32 v45, v35;
	vm3 =	vge.f32 v25, v17;
	v37 =	vld [tilespmem:s16+$0xFFFFFF90];
	v23, v39, _ =	vpop (xrf1)  }
0x198: {  	vm9 =	vgt.f32 v25, v17;
	vm4 =	vge.f32 v41, v23;
	v41 =	vmax.f32 v41, v23;
	v45, v49, _ =	vpop (xrf1)  }
0x199: {  	v23 =	vmax.f32 v36, v27;
	(xrf1) =	vsort.dscd.msk.f32 $0xffff, v44, v8;
	v17 =	vsel vm4, v42, v39;
	v25, v36, _ =	vpop (xrf1);
	vm4 =	vmand vm1, vm9  }
0x19a: {  	vm12 =	vge.f32 v29, v43;
	vm10 =	vmand vm1, vm10;
	v39 =	vld [tilespmem:s16+$0xFFFFFFB0];
	(xrf1) =	vsort.ascd.msk.f32 $0xffff, v22, v7;
	vm9 =	vge.f32 v25, v16;
	v27, v42, _ =	vpop (xrf1)  }
0x19b: {  	vm11 =	vmand vm1, vm6;
	v43 =	vld [tilespmem:s16+$0x30];
	v44 =	vmax.f32 v27, v30;
	(xrf1) =	vsort.dscd.msk.f32 $0xffff, v41, v17;
	v50, v51, _ =	vpop (xrf1);
	v17 =	vmax.f32 v24, v32  }
0x19c: {  	vm6 =	vmor vm8, vm7;
	v22 =	vmax.f32 v25, v16;
	vm13 =	vge.f32 v27, v30;
	v52 =	vld [tilespmem:s16+$0xA0];
	(xrf1) =	vsort.dscd.msk.f32 $0xffff, v26, v8;
	v25, v16, _ =	vpop (xrf1)  }
0x19d: {  	vm14 =	vmand vm5, vm0;
	vm8 =	vge.f32 v24, v32;
	vm7 =	vge.f32 v18, v45;
	v53 =	vld [tilespmem:s16+$0xFFFFFFA0];
	(xrf1) =	vsort.dscd.msk.f32 $0xffff, v28, v9;
	v26, v24, _ =	vpop (xrf1)  }
0x19e: {  	vm5 =	vmand vm12, vm0;
	v28 =	vsel vm7, v19, v49;
	v19 =	vsel vm8, v21, v33;
	v54 =	vld [tilespmem:s16+$0xFFFFFF20];
	(xrf1) =	vsort.dscd.msk.f32 $0xffff, v46, v8;
	v29, v46, _ =	vpop (xrf1)  }
0x19f: {  	v32 =	vmax.f32 v18, v45;
	v27 =	vperm.xlane v17, v5;
	vm7 =	vmor vm5, vm10;
	v21 =	vld [tilespmem:s16+$0xFFFFFF10];
	(xrf1) =	vsort.dscd.msk.f32 $0xffff, v35, v40;
	v18, v35, _ =	vpop (xrf1)  }
0x1a0: {  	v33 =	vsel vm9, v36, v15;
	vm8 =	vmor vm14, vm11;
	(xrf1) =	vsort.ascd.msk.f32 $0xffff, v39, v10;
	vm5 =	vge.f32 v50, v18;
	v39, v45, _ =	vpop (xrf1)  }
0x1a1: {  	v42 =	vsel vm13, v42, v34;
	v40 =	vsel vm2, v38, v48;
	vm2 =	vmand vm3, vm0;
	(xrf1) =	vsort.ascd.msk.f32 $0xffff, v43, v10;
	v36, v30, _ =	vpop (xrf1)  }
0x1a2: {  	vm9 =	vge.f32 v26, v25;
	v48 =	vmax.f32 v50, v18;
	vm2 =	vmor vm2, vm4;
	v41 =	vld [tilespmem:s16+$0xB0];
	(xrf1) =	vsort.ascd.msk.f32 $0xffff, v44, v42;
	v38, v34, _ =	vpop (xrf1)  }
0x1a3: {  	vm3 =	vge.f32 v14, v29;
	v24 =	vsel vm9, v24, v16;
	(xrf1) =	vsort.ascd.msk.f32 $0xffff, v37, v7;
	v18, v44, _ =	vpop (xrf1)  }
0x1a4: {  	(xrf1) =	vsort.ascd.msk.f32 $0xffff, v21, v7;
	v16, v15, _ =	vpop (xrf1);
	vm4 =	vge.f32 v39, v18;
	[tilespmem:v11+s11+$0x0] =	vst.idx.add.f32.msk vm6, v6;
	v11 =	vmov v19  }
.Ltmp2:
0x1a5: {  	v49 =	vmax.f32 v39, v18;
	(xrf1) =	vsort.dscd.msk.f32 $0xffff, v54, v9;
	[tilespmem:v13+s11+$0x0] =	vst.idx.add.f32.msk vm7, v6;
	(pc) =	sbr.rel @p0 .LBB2_6-.Ltmp2, $4  }
0x1a6: {  	v37 =	vmax.f32 v36, v38;
	(xrf1) =	vsort.dscd.msk.f32 $0xffff, v53, v9;
	[tilespmem:v47+s11+$0x0] =	vst.idx.add.f32.msk vm8, v6  }
0x1a7: {  	v39 =	vperm.xlane v37, v5;
	v13 =	vsel vm5, v51, v35;
	v43 =	vld [tilespmem:s16+$0x80];
	v18, v19, _ =	vpop (xrf1);
	(xrf1) =	vsort.dscd.msk.f32 $0xffff, v52, v9  }
0x1a8: {  	v44 =	vsel vm4, v45, v44;
	v35, v42, _ =	vpop (xrf1);
	(xrf1) =	vsort.ascd.msk.f32 $0xffff, v48, v13;
	[tilespmem:v12+s11+$0x0] =	vst.idx.add.f32.msk vm2, v6;
	v12 =	vmov v24  }
0x1a9: {  	s16 =	sadd.s32 $0x200, s16;
	vm2 =	vge.f32 v17, v27;
	v13 =	vsel vm3, v31, v46;
	v24, v21, _ =	vpop (xrf1);
	(xrf1) =	vsort.dscd.msk.f32 $0xffff, v49, v44  }
0x1aa: {  	v31, v44, _ =	vpop (xrf1);
	(xrf1) =	vsort.ascd.msk.f32 $0xffff, v23, v40  }
0x1ab: {  	v23, v40, _ =	vpop (xrf1);
	(xrf1) =	vsort.ascd.msk.f32 $0xffff, v41, v10  }
0x1ac: {  	v61, v45, _ =	vpop (xrf1);
	(xrf1) =	vsort.dscd.msk.f32 $0xffff, v43, v8  }
0x1ad: {  	(xrf1) =	vsort.dscd.msk.f32 $0xffff, v32, v28;
	v28, v32, _ =	vpop (xrf1)  }
0x1ae: {  	v62, v46, _ =	vpop (xrf1);
	(xrf1) =	vsort.ascd.msk.f32 $0xffff, v22, v33  }
0x1af: {  	v22, v33, _ =	vpop (xrf1);
	(xrf1) =	vsort.ascd.msk.f32 $0xffff, v20, v7  }
0x1b0: {  	v20, v47, _ =	vpop (xrf1)  }
0x1b1: {  	v48, v49, _ =	vpop (xrf1)  }
0x1b2: {  	vm8 =	vge.f32 v36, v38;
	v50, v51, _ =	vpop (xrf1)  }
0x1b3: {  	v14 =	vmax.f32 v14, v29;
	v25 =	vmax.f32 v26, v25;
	vm6 =	vgt.f32 v17, v27;
	v52, v53, _ =	vpop (xrf1)  }
0x1b4: {  	vm5 =	vge.f32 v37, v39;
	vm3 =	vge.f32 v31, v35;
	v17 =	vperm.xlane v25, v5;
	v54, v55, _ =	vpop (xrf1)  }
0x1b5: {  	v30 =	vsel vm8, v30, v34;
	v31 =	vmax.f32 v31, v35;
	v63 =	vsel vm3, v44, v42;
	v26, v29, _ =	vpop (xrf1)  }
0x1b6: {  	vm3 =	vgt.f32 v37, v39;
	vm4 =	vge.f32 v25, v17;
	vm15 =	vge.f32 v23, v22;
	v27, v36, _ =	vpop (xrf1)  }
0x1b7: {  	vm7 =	vgt.f32 v25, v17;
	v22 =	vmax.f32 v23, v22;
	v33 =	vsel vm15, v40, v33;
	v37, v39, _ =	vpop (xrf1)  }
0x1b8: {  	vm9 =	vge.f32 v61, v48;
	v56 =	vmax.f32 v61, v48;
	v48 =	vperm.xlane v14, v5;
	v17, v25, _ =	vpop (xrf1)  }
0x1b9: {  	v57 =	vsel vm9, v45, v49;
	vm11 =	vge.f32 v18, v50;
	v18 =	vmax.f32 v18, v50;
	v42, v44, _ =	vpop (xrf1)  }
0x1ba: {  	(xrf1) =	vsort.dscd.msk.f32 $0xffff, v56, v57;
	vm15 =	vgt.f32 v14, v48;
	vm10 =	vge.f32 v52, v16;
	v59, v58, _ =	vpop (xrf1)  }
0x1bb: {  	vm2 =	vmand vm2, vm0;
	v16 =	vmax.f32 v52, v16;
	vm12 =	vge.f32 v54, v62;
	(xrf1) =	vsort.dscd.msk.f32 $0xffff, v31, v63;
	v23, v31, _ =	vpop (xrf1)  }
0x1bc: {  	v60 =	vmax.f32 v54, v62;
	v15 =	vsel vm10, v53, v15;
	v61 =	vsel vm12, v55, v46;
	v63, v62, _ =	vpop (xrf1)  }
0x1bd: {  	vm6 =	vmand vm1, vm6;
	vm12 =	vge.f32 v14, v48;
	(xrf1) =	vsort.ascd.msk.f32 $0xffff, v60, v61;
	vm13 =	vge.f32 v26, v42;
	v38, v41, _ =	vpop (xrf1)  }
0x1be: {  	v26 =	vmax.f32 v26, v42;
	v29 =	vsel vm13, v29, v44;
	vm14 =	vge.f32 v59, v38  }
0x1bf: {  	vm7 =	vmand vm1, vm7;
	(xrf1) =	vsort.ascd.msk.f32 $0xffff, v26, v29;
	v14 =	vmax.f32 v59, v38;
	v26 =	vsel vm14, v58, v41  }
0x1c0: {  	vm13 =	vmand vm1, vm3;
	vm3 =	vmor vm2, vm6;
	vm2 =	vge.f32 v24, v20;
	(xrf1) =	vsort.dscd.msk.f32 $0xffff, v14, v26  }
0x1c1: {  	vm8 =	vmand vm1, vm15;
	v29 =	vmax.f32 v24, v20;
	v14 =	vsel vm11, v19, v51;
	(xrf1) =	vsort.ascd.msk.f32 $0xffff, v22, v33  }
0x1c2: {  	vm6 =	vmand vm5, vm0;
	(xrf1) =	vsort.dscd.msk.f32 $0xffff, v18, v14;
	v14 =	vsel vm2, v21, v47;
	v18 =	vmax.f32 v23, v63  }
0x1c3: {  	vm2 =	vmand vm12, vm0;
	v21 =	vmax.f32 v37, v27;
	(xrf1) =	vsort.ascd.msk.f32 $0xffff, v16, v15;
	v15 =	vperm.xlane v29, v5  }
0x1c4: {  	vm5 =	vmor vm2, vm8;
	vm2 =	vmand vm4, vm0;
	vm4 =	vmor vm6, vm13  }
0x1c5: {  	vm6 =	vge.f32 v37, v27;
	v19 =	vperm.xlane v18, v5;
	v26 =	vperm.xlane v21, v5  }
0x1c6: {  	vm2 =	vmor vm2, vm7;
	vm7 =	vge.f32 v28, v17;
	v16 =	vsel vm6, v39, v36  }
0x1c7: {  	v17 =	vmax.f32 v28, v17;
	vm6 =	vge.f32 v29, v15;
	v20 =	vsel vm7, v32, v25  }
0x1c8: {  	vm7 =	vge.f32 v23, v63;
	v24 =	vperm.xlane v17, v5;
	vm14 =	vgt.f32 v29, v15  }
0x1c9: {  	vm9 =	vge.f32 v18, v19;
	vm10 =	vgt.f32 v21, v26;
	vm12 =	vge.f32 v21, v26  }
0x1ca: {  	v22, v23, _ =	vpop (xrf1);
	v25 =	vsel vm7, v31, v62;
	vm7 =	vgt.f32 v18, v19;
	vm8 =	vmand vm1, vm14  }
0x1cb: {  	v27, v28, _ =	vpop (xrf1);
	vm6 =	vmand vm6, vm0;
	vm10 =	vmand vm1, vm10;
	vm14 =	vmand vm9, vm0  }
0x1cc: {  	v15, v18, _ =	vpop (xrf1);
	vm11 =	vgt.f32 v17, v24;
	vm13 =	vge.f32 v17, v24;
	vm7 =	vmand vm1, vm7  }
0x1cd: {  	vm6 =	vmor vm6, vm8;
	vm11 =	vmand vm1, vm11;
	v17 =	vmax.f32 v22, v15  }
0x1ce: {  	vm8 =	vge.f32 v22, v15;
	vm15 =	vmand vm13, vm0;
	v31 =	vperm.xlane v17, v5;
	v19, v21, _ =	vpop (xrf1)  }
0x1cf: {  	vm13 =	vmand vm12, vm0;
	v18 =	vsel vm8, v23, v18;
	vm9 =	vmor vm15, vm11;
	v24, v26, _ =	vpop (xrf1)  }
0x1d0: {  	vm8 =	vmor vm13, vm10;
	vm11 =	vge.f32 v17, v31;
	vm13 =	vgt.f32 v17, v31;
	v15, v22, _ =	vpop (xrf1)  }
0x1d1: {  	[tilespmem:v11+s11+$0x0] =	vst.idx.add.f32.msk vm3, v6;
	vm7 =	vmor vm14, vm7;
	vm3 =	vmand vm1, vm13;
	vm11 =	vmand vm11, vm0;
	v23, v29, _ =	vpop (xrf1)  }
0x1d2: {  	[tilespmem:v13+s11+$0x0] =	vst.idx.add.f32.msk vm5, v6;
	vm3 =	vmor vm11, vm3;
	vm15 =	vge.f32 v27, v15;
	v15 =	vmax.f32 v27, v15;
	v50, v49, _ =	vpop (xrf1)  }
0x1d3: {  	v22 =	vsel vm15, v28, v22;
	v27 =	vperm.xlane v15, v5;
	v51 =	vmax.f32 v23, v50  }
0x1d4: {  	vm10 =	vge.f32 v23, v50;
	v23 =	vmax.f32 v24, v19;
	v52 =	vperm.xlane v51, v5  }
0x1d5: {  	v17 =	vperm.xlane v23, v5;
	vm13 =	vgt.f32 v15, v27;
	vm11 =	vge.f32 v15, v27  }
0x1d6: {  	[tilespmem:v30+s11+$0x0] =	vst.idx.add.f32.msk vm4, v6;
	vm13 =	vmand vm1, vm13;
	vm11 =	vmand vm11, vm0;
	vm12 =	vgt.f32 v51, v52  }
0x1d7: {  	vm14 =	vge.f32 v51, v52;
	vm5 =	vge.f32 v23, v17;
	vm4 =	vgt.f32 v23, v17  }
0x1d8: {  	[tilespmem:v12+s11+$0x0] =	vst.idx.add.f32.msk vm2, v6;
	vm11 =	vmor vm11, vm13;
	vm2 =	vmand vm1, vm12;
	vm12 =	vmand vm14, vm0  }
0x1d9: {  	[tilespmem:v14+s11+$0x0] =	vst.idx.add.f32.msk vm6, v6;
	vm4 =	vmand vm1, vm4;
	vm5 =	vmand vm5, vm0;
	vm2 =	vmor vm12, vm2  }
0x1da: {  	[tilespmem:v25+s11+$0x0] =	vst.idx.add.f32.msk vm7, v6;
	vm6 =	vge.f32 v24, v19;
	v11 =	vsel vm10, v29, v49;
	vm4 =	vmor vm5, vm4  }
0x1db: {  	[tilespmem:v20+s11+$0x0] =	vst.idx.add.f32.msk vm9, v6;
	v12 =	vsel vm6, v26, v21  }
0x1dc: {  	[tilespmem:v16+s11+$0x0] =	vst.idx.add.f32.msk vm8, v6  }
0x1dd: {  	[tilespmem:v18+s11+$0x0] =	vst.idx.add.f32.msk vm3, v6  }
0x1de: {  	[tilespmem:v22+s11+$0x0] =	vst.idx.add.f32.msk vm11, v6  }
0x1df: {  	[tilespmem:v11+s11+$0x0] =	vst.idx.add.f32.msk vm2, v6  }
0x1e0: {  	[tilespmem:v12+s11+$0x0] =	vst.idx.add.f32.msk vm4, v6  }
0x1e1: {  	_ =	swait.ge [sflag:s12], $0x8000  }
0x1e2: {  	[sflag:s12] =	ssyncset.done $0x0  }
0x1e3: {  	s16 =	simm.s32 $0x8100;
	[sflag:s12] =	ssyncadd.s32 $0xFFFF8000  }
0x1e4: {  	v11 =	vld [tilespmem:s16+$0xFFFFFF00]  }
0x1e5: {  	v12 =	vld [tilespmem:s16+$0x80]  }
0x1e6: {  	v13 =	vld [tilespmem:s16+$0x30]  }
0x1e7: {  	v14 =	vld [tilespmem:s16+$0xFFFFFF80]  }
0x1e8: {  	v15 =	vld [tilespmem:s16+$0xB0]  }
0x1e9: {  	v16 =	vld [tilespmem:s16+$0xFFFFFF30];
	(xrf1) =	vsort.dscd.msk.f32 $0xffff, v11, v8  }
0x1ea: {  	v11 =	vld [tilespmem:s16+$0x20];
	(xrf1) =	vsort.dscd.msk.f32 $0xffff, v12, v8  }
0x1eb: {  	v12 =	vld [tilespmem:s16+$0x10];
	(xrf1) =	vsort.ascd.msk.f32 $0xffff, v13, v10  }
0x1ec: {  	v13 =	vld [tilespmem:s16+$0xFFFFFFA0];
	(xrf1) =	vsort.dscd.msk.f32 $0xffff, v14, v8  }
0x1ed: {  	v14 =	vld [tilespmem:s16+$0xFFFFFFB0];
	(xrf1) =	vsort.ascd.msk.f32 $0xffff, v15, v10  }
0x1ee: {  	v15 =	vld [tilespmem:s16+$0xFFFFFF20];
	(xrf1) =	vsort.ascd.msk.f32 $0xffff, v16, v10  }
0x1ef: {  	(xrf1) =	vsort.dscd.msk.f32 $0xffff, v11, v9;
	v11 =	vld [tilespmem:s16+$0xFFFFFF90]  }
0x1f0: {  	(xrf1) =	vsort.ascd.msk.f32 $0xffff, v12, v7  }
0x1f1: {  	(xrf1) =	vsort.dscd.msk.f32 $0xffff, v13, v9  }
0x1f2: {  	(xrf1) =	vsort.ascd.msk.f32 $0xffff, v14, v10  }
0x1f3: {  	(xrf1) =	vsort.dscd.msk.f32 $0xffff, v15, v9  }
0x1f4: {  	(xrf1) =	vsort.ascd.msk.f32 $0xffff, v11, v7;
	v11 =	vld [tilespmem:s16+$0x0]  }
0x1f5: {  	v12 =	vld [tilespmem:s16+$0x90]  }
0x1f6: {  	s15 =	simm.s32 $0x8300;
	v13 =	vld [tilespmem:s16+$0xA0]  }
0x1f7: {  	v18 =	vld [tilespmem:s15+$0xFFFFFF00];
	v14, v15, _ =	vpop (xrf1)  }
0x1f8: {  	v21 =	vld [tilespmem:s15+$0x80];
	v16, v17, _ =	vpop (xrf1)  }
0x1f9: {  	v22 =	vld [tilespmem:s16+$0xFFFFFF10];
	v19, v20, _ =	vpop (xrf1);
	(xrf1) =	vsort.dscd.msk.f32 $0xffff, v11, v8  }
0x1fa: {  	v26 =	vld [tilespmem:s15+$0x30];
	v23, v24, _ =	vpop (xrf1);
	(xrf1) =	vsort.ascd.msk.f32 $0xffff, v12, v7  }
0x1fb: {  	v12 =	vld [tilespmem:s15+$0xFFFFFF80];
	v11, v25, _ =	vpop (xrf1);
	(xrf1) =	vsort.dscd.msk.f32 $0xffff, v13, v9  }
0x1fc: {  	v27, v28, _ =	vpop (xrf1);
	(xrf1) =	vsort.dscd.msk.f32 $0xffff, v18, v8;
	v18 =	vld [tilespmem:s15+$0xB0]  }
0x1fd: {  	v30 =	vld [tilespmem:s15+$0xFFFFFF30];
	v13, v29, _ =	vpop (xrf1);
	(xrf1) =	vsort.dscd.msk.f32 $0xffff, v21, v8  }
0x1fe: {  	v53 =	vld [tilespmem:s15+$0x20];
	v21, v31, _ =	vpop (xrf1);
	(xrf1) =	vsort.ascd.msk.f32 $0xffff, v22, v7  }
0x1ff: {  	v55, v54, _ =	vpop (xrf1);
	(xrf1) =	vsort.ascd.msk.f32 $0xffff, v26, v10  }
0x200: {  	v22, v56, _ =	vpop (xrf1);
	(xrf1) =	vsort.dscd.msk.f32 $0xffff, v12, v8  }
0x201: {  	v26, v57, _ =	vpop (xrf1);
	(xrf1) =	vsort.ascd.msk.f32 $0xffff, v18, v10;
	vm3 =	vge.f32 v55, v22  }
0x202: {  	v18 =	vld [tilespmem:s15+$0x10];
	v22 =	vmax.f32 v55, v22;
	vm2 =	vge.f32 v26, v27;
	v12, v58, _ =	vpop (xrf1);
	(xrf1) =	vsort.ascd.msk.f32 $0xffff, v30, v10  }
0x203: {  	v30 =	vsel vm3, v54, v56;
	vm4 =	vge.f32 v23, v12;
	(xrf1) =	vsort.dscd.msk.f32 $0xffff, v53, v9  }
0x204: {  	v59 =	vld [tilespmem:s15+$0xFFFFFFA0];
	v12 =	vmax.f32 v23, v12;
	v24 =	vsel vm4, v24, v58;
	(xrf1) =	vsort.ascd.msk.f32 $0xffff, v22, v30  }
0x205: {  	v23 =	vmax.f32 v26, v27;
	v26 =	vsel vm2, v57, v28;
	v22 =	vld [tilespmem:s15+$0xFFFFFFB0];
	(xrf1) =	vsort.dscd.msk.f32 $0xffff, v12, v24  }
0x206: {  	v24 =	vld [tilespmem:s15+$0xFFFFFF20];
	(xrf1) =	vsort.ascd.msk.f32 $0xffff, v23, v26  }
0x207: {  	v26 =	vld [tilespmem:s15+$0xFFFFFF90];
	v27, v28, _ =	vpop (xrf1);
	(xrf1) =	vsort.ascd.msk.f32 $0xffff, v18, v7  }
0x208: {  	vm2 =	vge.f32 v13, v19;
	v18, v30, _ =	vpop (xrf1)  }
0x209: {  	v20 =	vsel vm2, v29, v20;
	(xrf1) =	vsort.dscd.msk.f32 $0xffff, v59, v9;
	vm2 =	vge.f32 v27, v21;
	v61, v60, _ =	vpop (xrf1)  }
0x20a: {  	v19 =	vmax.f32 v13, v19;
	(xrf1) =	vsort.ascd.msk.f32 $0xffff, v22, v10;
	v28 =	vsel vm2, v28, v31;
	v23, v12, _ =	vpop (xrf1)  }
0x20b: {  	v21 =	vmax.f32 v27, v21;
	v22 =	vld [tilespmem:s15+$0x0];
	(xrf1) =	vsort.dscd.msk.f32 $0xffff, v24, v9;
	v13, v29, _ =	vpop (xrf1)  }
0x20c: {  	v24 =	vld [tilespmem:s15+$0x90];
	(xrf1) =	vsort.ascd.msk.f32 $0xffff, v26, v7;
	v27, v31, _ =	vpop (xrf1)  }
0x20d: {  	s31 =	simm.s32 $0x8500;
	vm3 =	vge.f32 v16, v18;
	v26 =	vld [tilespmem:s15+$0xA0];
	(xrf1) =	vsort.ascd.msk.f32 $0xffff, v19, v20;
	v19, v20, _ =	vpop (xrf1)  }
0x20e: {  	v16 =	vmax.f32 v16, v18;
	v18 =	vld [tilespmem:s31+$0xFFFFFF00];
	v17 =	vsel vm3, v17, v30;
	(xrf1) =	vsort.dscd.msk.f32 $0xffff, v21, v28;
	v21, v28, _ =	vpop (xrf1)  }
0x20f: {  	v30 =	vld [tilespmem:s31+$0x80];
	(xrf1) =	vsort.dscd.msk.f32 $0xffff, v16, v17;
	v35, v36, _ =	vpop (xrf1)  }
0x210: {  	(xrf1) =	vsort.dscd.msk.f32 $0xffff, v22, v8;
	v22, v62, _ =	vpop (xrf1)  }
0x211: {  	(xrf1) =	vsort.ascd.msk.f32 $0xffff, v24, v7;
	v24, v63, _ =	vpop (xrf1)  }
0x212: {  	vm2 =	vge.f32 v61, v11;
	(xrf1) =	vsort.dscd.msk.f32 $0xffff, v26, v9;
	v26 =	vld [tilespmem:s15+$0xFFFFFF10];
	v45, v46, _ =	vpop (xrf1)  }
0x213: {  	v47 =	vld [tilespmem:s31+$0x30];
	v25 =	vsel vm2, v60, v25;
	vm2 =	vge.f32 v14, v27;
	(xrf1) =	vsort.dscd.msk.f32 $0xffff, v18, v8;
	v18, v48, _ =	vpop (xrf1)  }
0x214: {  	v14 =	vmax.f32 v14, v27;
	v27 =	vld [tilespmem:s31+$0xFFFFFF80];
	v15 =	vsel vm2, v15, v31;
	v17, v16, _ =	vpop (xrf1);
	(xrf1) =	vsort.dscd.msk.f32 $0xffff, v30, v8  }
0x215: {  	v11 =	vmax.f32 v61, v11;
	v31 =	vld [tilespmem:s31+$0xB0];
	v30 =	vmax.f32 v18, v45;
	v49, v50, _ =	vpop (xrf1);
	(xrf1) =	vsort.dscd.msk.f32 $0xffff, v14, v15  }
0x216: {  	v51 =	vmax.f32 v24, v19;
	v14 =	vld [tilespmem:s31+$0xFFFFFF30];
	v15 =	vperm.xlane v30, v5;
	(xrf1) =	vsort.ascd.msk.f32 $0xffff, v11, v25  }
0x217: {  	vm3 =	vge.f32 v24, v19;
	vm2 =	vge.f32 v18, v45;
	v18, v38, _ =	vpop (xrf1);
	v25 =	vld [tilespmem:s31+$0x20];
	(xrf1) =	vsort.ascd.msk.f32 $0xffff, v26, v7  }
0x218: {  	v54 =	vsel vm3, v63, v20;
	v11 =	vsel vm2, v48, v46;
	v26, v52, _ =	vpop (xrf1);
	(xrf1) =	vsort.ascd.msk.f32 $0xffff, v47, v10  }
0x219: {  	vm2 =	vgt.f32 v30, v15;
	vm3 =	vge.f32 v30, v15;
	v19, v53, _ =	vpop (xrf1);
	(xrf1) =	vsort.dscd.msk.f32 $0xffff, v27, v8  }
0x21a: {  	vm5 =	vge.f32 v18, v26;
	v26 =	vmax.f32 v18, v26;
	v15, v20, _ =	vpop (xrf1);
	(xrf1) =	vsort.ascd.msk.f32 $0xffff, v31, v10  }
0x21b: {  	v27, v31, _ =	vpop (xrf1);
	vm6 =	vge.f32 v21, v15;
	v15 =	vmax.f32 v21, v15;
	(xrf1) =	vsort.ascd.msk.f32 $0xffff, v14, v10  }
0x21c: {  	v56 =	vld [tilespmem:s31+$0x10];
	v30 =	vsel vm5, v38, v52;
	v14, v55, _ =	vpop (xrf1);
	v20 =	vsel vm6, v28, v20;
	(xrf1) =	vsort.dscd.msk.f32 $0xffff, v25, v9  }
0x21d: {  	vm4 =	vge.f32 v19, v22;
	v19 =	vmax.f32 v19, v22;
	v24, v18, _ =	vpop (xrf1);
	v25 =	vld [tilespmem:s31+$0xFFFFFFA0];
	(xrf1) =	vsort.ascd.msk.f32 $0xffff, v26, v30  }
0x21e: {  	vm3 =	vmand vm3, vm0;
	v21 =	vsel vm4, v53, v62;
	v58 =	vmax.f32 v14, v27;
	v28, v57, _ =	vpop (xrf1);
	v26 =	vld [tilespmem:s31+$0xFFFFFFB0];
	(xrf1) =	vsort.dscd.msk.f32 $0xffff, v15, v20  }
0x21f: {  	v59 =	vld [tilespmem:s31+$0xFFFFFF20];
	vm2 =	vmand vm1, vm2;
	vm7 =	vge.f32 v14, v27;
	v61 =	vperm.xlane v58, v5;
	v30, v15, _ =	vpop (xrf1);
	(xrf1) =	vsort.ascd.msk.f32 $0xffff, v19, v21  }
0x220: {  	v62 =	vld [tilespmem:s31+$0xFFFFFF90];
	vm4 =	vge.f32 v28, v49;
	v42 =	vmax.f32 v28, v49;
	v60, v20, _ =	vpop (xrf1);
	vm5 =	vge.f32 v13, v30  }
0x221: {  	vm2 =	vmor vm3, vm2;
	vm3 =	vgt.f32 v58, v61;
	v41 =	vsel vm4, v57, v50;
	v21, v19, _ =	vpop (xrf1);
	(xrf1) =	vsort.ascd.msk.f32 $0xffff, v56, v7  }
0x222: {  	vm6 =	vge.f32 v60, v35;
	v34 =	vsel vm5, v29, v15;
	(xrf1) =	vsort.dscd.msk.f32 $0xffff, v25, v9;
	v22, v14, _ =	vpop (xrf1)  }
0x223: {  	v37 =	vld [tilespmem:s31+$0x0];
	v15 =	vsel vm7, v55, v31;
	(xrf1) =	vsort.ascd.msk.f32 $0xffff, v26, v10;
	v26 =	vmax.f32 v60, v35;
	v35, v33, _ =	vpop (xrf1)  }
0x224: {  	v38 =	vld [tilespmem:s31+$0x90];
	vm5 =	vge.f32 v58, v61;
	vm3 =	vmand vm1, vm3;
	v25 =	vsel vm6, v20, v36;
	(xrf1) =	vsort.dscd.msk.f32 $0xffff, v59, v9;
	v40, v27, _ =	vpop (xrf1)  }
0x225: {  	v31 =	vld [tilespmem:s31+$0xFFFFFF10];
	vm6 =	vmand vm5, vm0;
	v32 =	vmax.f32 v35, v17;
	(xrf1) =	vsort.ascd.msk.f32 $0xffff, v62, v7;
	v63, v39, _ =	vpop (xrf1);
	vm4 =	vge.f32 v24, v40  }
0x226: {  	s16 =	simm.s32 $0x8700;
	s15 =	simm.s32 $0x8;
	v20 =	vld [tilespmem:s31+$0xA0];
	vm3 =	vmor vm6, vm3;
	v29, v28, _ =	vpop (xrf1);
	vm5 =	vge.f32 v23, v63;
	v36 =	vmax.f32 v23, v63;
	(xrf1) =	vsort.ascd.msk.f32 $0xffff, v51, v54  }
.LBB2_8:
0x227: {  	v43 =	vld [tilespmem:s16+$0xFFFFFF00];
	s15 =	sadd.s32 $0x4, s15;
	v44, v45, _ =	vpop (xrf1);
	v47 =	vmax.f32 v13, v30;
	(xrf1) =	vsort.dscd.msk.f32 $0xffff, v42, v41;
	v24 =	vmax.f32 v24, v40;
	v23 =	vmov v21  }
0x228: {  	vm6 =	vge.f32 v35, v17;
	v17 =	vperm.xlane v32, v5;
	v13 =	vmov v22;
	v21 =	vld [tilespmem:s16+$0x80];
	p0 =	slt.u32 s15, $0xFC;
	v40, v41, _ =	vpop (xrf1);
	(xrf1) =	vsort.dscd.msk.f32 $0xffff, v47, v34  }
0x229: {  	v33 =	vsel vm6, v33, v16;
	v35 =	vperm.xlane v24, v5;
	v22 =	vld [tilespmem:s16+$0xFFFFFF80];
	v30, v34, _ =	vpop (xrf1);
	(xrf1) =	vsort.dscd.msk.f32 $0xffff, v37, v8  }
0x22a: {  	v37 =	vld [tilespmem:s16+$0x30];
	v42, v46, _ =	vpop (xrf1);
	(xrf1) =	vsort.ascd.msk.f32 $0xffff, v38, v7;
	v38 =	vsel vm5, v12, v39;
	vm5 =	vge.f32 v32, v17;
	v12 =	vmov v19  }
0x22b: {  	vm6 =	vgt.f32 v32, v17;
	(xrf1) =	vsort.dscd.msk.f32 $0xffff, v20, v9;
	v16, v19, _ =	vpop (xrf1);
	vm5 =	vmand vm5, vm0;
	[tilespmem:v11+s11+$0x0] =	vst.idx.add.f32.msk vm2, v6  }
0x22c: {  	vm2 =	vmand vm1, vm6;
	vm6 =	vge.f32 v24, v35;
	v32 =	vld [tilespmem:s16+$0xFFFFFF30];
	(xrf1) =	vsort.dscd.msk.f32 $0xffff, v43, v8;
	v43 =	vmax.f32 v42, v29;
	v11, v20, _ =	vpop (xrf1)  }
0x22d: {  	vm5 =	vmor vm5, vm2;
	vm7 =	vge.f32 v11, v16;
	v39 =	vmax.f32 v11, v16;
	v17, v16, _ =	vpop (xrf1);
	[tilespmem:v15+s11+$0x0] =	vst.idx.add.f32.msk vm3, v6  }
0x22e: {  	vm2 =	vgt.f32 v24, v35;
	vm3 =	vmand vm6, vm0;
	v15 =	vld [tilespmem:s16+$0xB0];
	(xrf1) =	vsort.dscd.msk.f32 $0xffff, v21, v8;
	v21 =	vperm.xlane v39, v5  }
0x22f: {  	v11 =	vsel vm7, v20, v19;
	v19 =	vsel vm4, v18, v27;
	vm4 =	vmand vm1, vm2;
	v24 =	vld [tilespmem:s16+$0x20];
	v47, v48, _ =	vpop (xrf1);
	(xrf1) =	vsort.dscd.msk.f32 $0xffff, v36, v38  }
0x230: {  	vm6 =	vge.f32 v42, v29;
	vm4 =	vmor vm3, vm4;
	v20 =	vld [tilespmem:s16+$0xA0];
	v18, v27, _ =	vpop (xrf1);
	vm2 =	vgt.f32 v39, v21;
	(xrf1) =	vsort.ascd.msk.f32 $0xffff, v26, v25  }
0x231: {  	v46 =	vsel vm6, v46, v28;
	vm3 =	vge.f32 v39, v21;
	(xrf1) =	vsort.ascd.msk.f32 $0xffff, v31, v7;
	v25, v26, _ =	vpop (xrf1)  }
0x232: {  	vm3 =	vmand vm3, vm0;
	(xrf1) =	vsort.ascd.msk.f32 $0xffff, v37, v10;
	v21, v28, _ =	vpop (xrf1);
	vm7 =	vge.f32 v18, v25  }
0x233: {  	v25 =	vmax.f32 v18, v25;
	(xrf1) =	vsort.dscd.msk.f32 $0xffff, v22, v8;
	vm6 =	vge.f32 v21, v30;
	v22, v29, _ =	vpop (xrf1)  }
0x234: {  	v31 =	vld [tilespmem:s16+$0x10];
	(xrf1) =	vsort.ascd.msk.f32 $0xffff, v15, v10;
	vm8 =	vge.f32 v44, v22;
	v15 =	vsel vm7, v27, v26;
	v26, v27, _ =	vpop (xrf1)  }
0x235: {  	(xrf1) =	vsort.ascd.msk.f32 $0xffff, v32, v10;
	v32, v35, _ =	vpop (xrf1);
	[tilespmem:v33+s11+$0x0] =	vst.idx.add.f32.msk vm5, v6;
	v29 =	vsel vm8, v45, v29  }
0x236: {  	(xrf1) =	vsort.dscd.msk.f32 $0xffff, v24, v9;
	v24, v18, _ =	vpop (xrf1);
	[tilespmem:v19+s11+$0x0] =	vst.idx.add.f32.msk vm4, v6;
	v19 =	vmax.f32 v21, v30  }
0x237: {  	v21 =	vmax.f32 v44, v22;
	v33 =	vld [tilespmem:s16+$0xFFFFFFA0];
	(xrf1) =	vsort.ascd.msk.f32 $0xffff, v25, v15;
	v36, v38, _ =	vpop (xrf1)  }
0x238: {  	v15 =	vsel vm6, v28, v34;
	v28 =	vmax.f32 v32, v26;
	v37 =	vld [tilespmem:s16+$0xFFFFFFB0];
	(xrf1) =	vsort.dscd.msk.f32 $0xffff, v21, v29;
	v30, v22, _ =	vpop (xrf1)  }
0x239: {  	vm4 =	vge.f32 v36, v47;
	v42 =	vperm.xlane v28, v5;
	v29 =	vld [tilespmem:s16+$0xFFFFFF20];
	(xrf1) =	vsort.ascd.msk.f32 $0xffff, v19, v15;
	v39, v25, _ =	vpop (xrf1)  }
0x23a: {  	vm7 =	vge.f32 v32, v26;
	vm5 =	vge.f32 v13, v30;
	v44 =	vld [tilespmem:s16+$0xFFFFFF90];
	v21, v19, _ =	vpop (xrf1);
	vm6 =	vge.f32 v39, v40  }
0x23b: {  	v15 =	vsel vm7, v35, v27;
	v34 =	vsel vm5, v14, v22;
	(xrf1) =	vsort.ascd.msk.f32 $0xffff, v31, v7  }
.Ltmp3:
0x23c: {  	vm2 =	vmand vm1, vm2;
	vm5 =	vge.f32 v28, v42;
	v25 =	vsel vm6, v25, v41;
	(xrf1) =	vsort.dscd.msk.f32 $0xffff, v33, v9;
	v22, v14, _ =	vpop (xrf1);
	(pc) =	sbr.rel @p0 .LBB2_8-.Ltmp3, $4  }
0x23d: {  	vm2 =	vmor vm3, vm2;
	v26 =	vmax.f32 v39, v40;
	vm3 =	vgt.f32 v28, v42;
	(xrf1) =	vsort.ascd.msk.f32 $0xffff, v37, v10;
	v35, v33, _ =	vpop (xrf1)  }
0x23e: {  	v41 =	vsel vm4, v38, v48;
	vm3 =	vmand vm1, vm3;
	v37 =	vld [tilespmem:s16+$0x0];
	(xrf1) =	vsort.dscd.msk.f32 $0xffff, v29, v9;
	v32 =	vmax.f32 v35, v17;
	v40, v27, _ =	vpop (xrf1)  }
0x23f: {  	v42 =	vmax.f32 v36, v47;
	vm6 =	vmand vm5, vm0;
	v38 =	vld [tilespmem:s16+$0x90];
	(xrf1) =	vsort.ascd.msk.f32 $0xffff, v44, v7;
	v36, v39, _ =	vpop (xrf1);
	vm4 =	vge.f32 v24, v40  }
0x240: {  	vm3 =	vmor vm6, vm3;
	v31 =	vld [tilespmem:s16+$0xFFFFFF10];
	s16 =	sadd.s32 $0x200, s16;
	v29, v28, _ =	vpop (xrf1);
	vm5 =	vge.f32 v23, v36;
	v36 =	vmax.f32 v23, v36;
	(xrf1) =	vsort.ascd.msk.f32 $0xffff, v43, v46  }
0x241: {  	v10 =	vmax.f32 v13, v30  }
0x242: {  	(xrf1) =	vsort.dscd.msk.f32 $0xffff, v42, v41  }
0x243: {  	v52, v23, _ =	vpop (xrf1);
	(xrf1) =	vsort.dscd.msk.f32 $0xffff, v10, v34  }
0x244: {  	v10, v30, _ =	vpop (xrf1);
	(xrf1) =	vsort.dscd.msk.f32 $0xffff, v37, v8  }
0x245: {  	v12 =	vsel vm5, v12, v39;
	v8, v53, _ =	vpop (xrf1);
	(xrf1) =	vsort.ascd.msk.f32 $0xffff, v38, v7  }
0x246: {  	v54, v55, _ =	vpop (xrf1);
	(xrf1) =	vsort.dscd.msk.f32 $0xffff, v20, v9  }
0x247: {  	v9, v20, _ =	vpop (xrf1);
	(xrf1) =	vsort.dscd.msk.f32 $0xffff, v36, v12  }
0x248: {  	v12, v36, _ =	vpop (xrf1);
	(xrf1) =	vsort.ascd.msk.f32 $0xffff, v26, v25  }
0x249: {  	v25, v26, _ =	vpop (xrf1);
	(xrf1) =	vsort.ascd.msk.f32 $0xffff, v31, v7  }
0x24a: {  	v7, v31, _ =	vpop (xrf1)  }
0x24b: {  	v24 =	vmax.f32 v24, v40;
	v56 =	vperm.xlane v32, v5;
	v58, v57, _ =	vpop (xrf1)  }
0x24c: {  	vm10 =	vge.f32 v35, v17;
	v18 =	vsel vm4, v18, v27;
	v59 =	vperm.xlane v24, v5;
	v61, v60, _ =	vpop (xrf1)  }
0x24d: {  	v16 =	vsel vm10, v33, v16;
	vm8 =	vge.f32 v32, v56;
	vm6 =	vgt.f32 v32, v56;
	v17, v32, _ =	vpop (xrf1)  }
0x24e: {  	vm5 =	vge.f32 v24, v59;
	vm9 =	vgt.f32 v24, v59;
	v62 =	vmax.f32 v54, v29;
	v44, v63, _ =	vpop (xrf1)  }
0x24f: {  	vm12 =	vge.f32 v54, v29;
	vm11 =	vge.f32 v12, v9;
	v9 =	vmax.f32 v12, v9;
	v47, v46, _ =	vpop (xrf1)  }
0x250: {  	v20 =	vsel vm11, v36, v20;
	v51 =	vperm.xlane v9, v5;
	vm13 =	vge.f32 v58, v61;
	v39, v41, _ =	vpop (xrf1)  }
0x251: {  	v49 =	vmax.f32 v58, v61;
	v48 =	vsel vm13, v57, v60;
	vm14 =	vge.f32 v17, v8;
	v50, v36, _ =	vpop (xrf1)  }
0x252: {  	v8 =	vmax.f32 v17, v8;
	vm7 =	vge.f32 v52, v44;
	v13 =	vmax.f32 v52, v44;
	v12, v38, _ =	vpop (xrf1)  }
0x253: {  	v52 =	vsel vm14, v32, v53;
	v23 =	vsel vm7, v23, v63;
	(xrf1) =	vsort.ascd.msk.f32 $0xffff, v49, v48;
	v53, v54, _ =	vpop (xrf1)  }
0x254: {  	vm15 =	vmand vm8, vm0;
	v45 =	vsel vm12, v55, v28;
	vm8 =	vge.f32 v9, v51;
	(xrf1) =	vsort.dscd.msk.f32 $0xffff, v13, v23;
	v56, v55, _ =	vpop (xrf1)  }
0x255: {  	vm6 =	vmand vm1, vm6;
	vm7 =	vgt.f32 v9, v51;
	vm10 =	vge.f32 v12, v7;
	(xrf1) =	vsort.ascd.msk.f32 $0xffff, v8, v52;
	v8, v57, _ =	vpop (xrf1)  }
0x256: {  	v61 =	vmax.f32 v39, v47;
	v7 =	vmax.f32 v12, v7;
	v58 =	vsel vm10, v38, v31;
	v59, v60, _ =	vpop (xrf1)  }
0x257: {  	vm4 =	vmor vm15, vm6;
	(xrf1) =	vsort.ascd.msk.f32 $0xffff, v62, v45;
	vm12 =	vge.f32 v22, v53;
	v32 =	vmax.f32 v22, v53;
	v63, v62, _ =	vpop (xrf1)  }
0x258: {  	vm5 =	vmand vm5, vm0;
	(xrf1) =	vsort.dscd.msk.f32 $0xffff, v7, v58;
	v7 =	vsel vm12, v14, v54;
	vm13 =	vge.f32 v21, v63  }
0x259: {  	vm14 =	vmand vm1, vm9;
	(xrf1) =	vsort.dscd.msk.f32 $0xffff, v32, v7;
	v34 =	vmax.f32 v21, v63;
	v7 =	vsel vm13, v19, v62  }
0x25a: {  	vm5 =	vmor vm5, vm14;
	v38 =	vperm.xlane v61, v5;
	vm15 =	vge.f32 v56, v10;
	(xrf1) =	vsort.dscd.msk.f32 $0xffff, v34, v7  }
0x25b: {  	v10 =	vmax.f32 v56, v10;
	vm12 =	vge.f32 v39, v47;
	v7 =	vsel vm15, v55, v30  }
0x25c: {  	vm7 =	vmand vm1, vm7;
	vm14 =	vge.f32 v61, v38;
	vm9 =	vge.f32 v50, v59;
	(xrf1) =	vsort.ascd.msk.f32 $0xffff, v10, v7  }
0x25d: {  	v39 =	vsel vm12, v41, v46;
	v41 =	vmax.f32 v50, v59;
	v51 =	vsel vm9, v36, v60  }
0x25e: {  	vm13 =	vmand vm8, vm0;
	vm8 =	vmand vm14, vm0;
	v7 =	vmax.f32 v8, v25  }
0x25f: {  	vm15 =	vgt.f32 v61, v38;
	vm6 =	vmor vm13, vm7;
	v40 =	vperm.xlane v7, v5  }
0x260: {  	vm13 =	vge.f32 v8, v25;
	vm12 =	vmand vm1, vm15;
	v8 =	vperm.xlane v41, v5  }
0x261: {  	vm7 =	vmor vm8, vm12;
	vm14 =	vge.f32 v7, v40;
	vm11 =	vgt.f32 v7, v40;
	v43, v42, _ =	vpop (xrf1)  }
0x262: {  	vm15 =	vgt.f32 v41, v8;
	vm8 =	vmand vm14, vm0;
	vm10 =	vmand vm1, vm11;
	v45, v44, _ =	vpop (xrf1)  }
0x263: {  	vm11 =	vge.f32 v41, v8;
	vm8 =	vmor vm8, vm10;
	v9 =	vmax.f32 v45, v43  }
0x264: {  	vm11 =	vmand vm11, vm0;
	vm10 =	vmand vm1, vm15;
	v47, v46, _ =	vpop (xrf1);
	v48 =	vperm.xlane v9, v5  }
0x265: {  	v7 =	vsel vm13, v57, v26;
	vm12 =	vge.f32 v45, v43;
	vm9 =	vmor vm11, vm10;
	v8, v12, _ =	vpop (xrf1)  }
0x266: {  	v10 =	vsel vm12, v44, v42;
	v50, v49, _ =	vpop (xrf1);
	vm10 =	vge.f32 v9, v48;
	vm12 =	vgt.f32 v9, v48  }
0x267: {  	v52 =	vmax.f32 v50, v8;
	v53, v54, _ =	vpop (xrf1);
	vm11 =	vge.f32 v50, v8;
	vm10 =	vmand vm10, vm0  }
0x268: {  	v55 =	vperm.xlane v52, v5;
	v8 =	vsel vm11, v49, v12;
	vm11 =	vmand vm1, vm12;
	v56, v57, _ =	vpop (xrf1)  }
0x269: {  	[tilespmem:v11+s11+$0x0] =	vst.idx.add.f32.msk vm2, v6;
	vm2 =	vmor vm10, vm11;
	v58 =	vmax.f32 v56, v47  }
0x26a: {  	vm12 =	vge.f32 v52, v55;
	vm13 =	vgt.f32 v52, v55;
	v60, v59, _ =	vpop (xrf1);
	v61 =	vperm.xlane v58, v5  }
0x26b: {  	[tilespmem:v15+s11+$0x0] =	vst.idx.add.f32.msk vm3, v6;
	vm3 =	vmand vm1, vm13;
	vm10 =	vmand vm12, vm0;
	v62 =	vmax.f32 v53, v60  }
0x26c: {  	v63 =	vperm.xlane v62, v5;
	vm11 =	vge.f32 v58, v61;
	vm12 =	vgt.f32 v58, v61  }
0x26d: {  	[tilespmem:v16+s11+$0x0] =	vst.idx.add.f32.msk vm4, v6;
	vm3 =	vmor vm10, vm3;
	vm14 =	vmand vm11, vm0;
	vm15 =	vmand vm1, vm12  }
0x26e: {  	[tilespmem:v18+s11+$0x0] =	vst.idx.add.f32.msk vm5, v6;
	vm12 =	vge.f32 v62, v63;
	vm13 =	vgt.f32 v62, v63;
	vm4 =	vmor vm14, vm15  }
0x26f: {  	[tilespmem:v20+s11+$0x0] =	vst.idx.add.f32.msk vm6, v6;
	vm14 =	vge.f32 v56, v47;
	vm5 =	vmand vm12, vm0;
	vm10 =	vmand vm1, vm13  }
0x270: {  	[tilespmem:v39+s11+$0x0] =	vst.idx.add.f32.msk vm7, v6;
	vm15 =	vge.f32 v53, v60;
	v9 =	vsel vm14, v57, v46;
	vm5 =	vmor vm5, vm10  }
0x271: {  	[tilespmem:v7+s11+$0x0] =	vst.idx.add.f32.msk vm8, v6;
	v7 =	vsel vm15, v54, v59  }
0x272: {  	[tilespmem:v51+s11+$0x0] =	vst.idx.add.f32.msk vm9, v6  }
0x273: {  	[tilespmem:v10+s11+$0x0] =	vst.idx.add.f32.msk vm2, v6  }
0x274: {  	s14 =	sadd.s32 $0x1, s14;
	[tilespmem:v8+s11+$0x0] =	vst.idx.add.f32.msk vm3, v6  }
0x275: {  	p0 =	sne.s32 s14, s8;
	[tilespmem:v9+s11+$0x0] =	vst.idx.add.f32.msk vm4, v6  }
.Ltmp4:
0x276: {  	[tilespmem:v7+s11+$0x0] =	vst.idx.add.f32.msk vm5, v6;
	(pc) =	sbr.rel @p0 .LBB2_1-.Ltmp4, $4  }
0x277: {  	[hbm4b:s7+s2] =	stream.linear.scatter [tilespmem:s11], [sflag:$0x3], $0x80, $0x38;
	[tilespmem:$0x10080] =	vst v63  }
0x278: {  	_ =	swait.ge [sflag:s13], $0x80  }
0x279: {  	[sflag:s13] =	ssyncset.done $0x0  }
0x27a: {  	[sflag:s13] =	ssyncadd.s32 $0xFFFFFF80  }
0x27b: {  	_ =	sfence.sel $0x180000  }
0x27c: {  	[bflag:$0x0] =	sbarrier.arrive $0xFFFF  }
0x27d: {  	p0 =	sne.s32 s1, $0x0;
	_ =	strace $0x90000047  }
0x27e: {  	s0 =	sadd.s32 @!p0 $0x100000, s0;
	[bflag:$0x2] =	sbarrier.arrive $0xFFFF  }
0x27f: {  	[sflag:s0] =	ssyncadd.tile.s32 @!p0 $0x1;
	_ =	shalt  }
.Lfunc_end2:
_tile_overlayer_lowered:
.L_overlay_start_2:
0x280: {  	(tag) =	ssettag $0x2  }
0x281: {  	s0 =	rddreg [dreg:$0x0];
	s2 =	stileid.u32  }
0x282: {  	s1 =	rddreg [dreg:$0x1];
	p0 =	sne.s32 s2, $0x0  }
0x283: {  	s3 =	rddreg [dreg:$0x2];
	[bflag:$0x3] =	sbarrier.arrive $0xFFFF;
	s2 =	simm.s32 @!p0 $0x1C03  }
0x284: {  	[timem:s3], [sflag:s2] =	dma.local @!p0 [hbm:s0], s1  }
0x285: {  	s0 =	simm.s32 @!p0 $0x3  }
0x286: {  	_ =	swait.ge @!p0 [sflag:s0], s1  }
0x287: {  	s1 =	ssub.s32 @!p0 $0x0, s1;
	[sflag:s0] =	ssyncset.done @!p0 $0x0  }
0x288: {  	[sflag:s0] =	ssyncadd.s32 @!p0 s1  }
0x289: {  	[bflag:$0x3] =	sbarrier.arrive $0xFFFF  }
0x28a: {  	_ =	shalt  }

</sc_bundles>
